<compile_context>
chip_gen: v7x
topology: tpu7x:2x2x1
jax: 0.10.2.dev20260603
libtpu: 0.0.44.dev20260713+nightly
codegen_flags: <defaults>
</compile_context>

<pallas_src>
import functools

import jax
import jax.numpy as jnp
from jax import lax
from jax.experimental import pallas as pl
from jax.experimental.pallas import tpu as pltpu
from jax.experimental.pallas import tpu_sc as plsc

B = 16384
NZ = 1024
L = 16
NC = 2
NS = 16
NW = NC * NS
ROWS_PER_W = B // NW
R = 16
C = ROWS_PER_W // R
NJ = NZ // L


def _sc_body(h_hbm, idx_hbm, out_hbm, idx_v,
             in0, in1, out0, out1,
             sem_i0, sem_i1, sem_o0, sem_o1, sem_x):
    wid = lax.axis_index("s") * NC + lax.axis_index("c")
    row0 = wid * ROWS_PER_W
    pltpu.async_copy(idx_hbm, idx_v, sem_x)

    def fire_in(g, buf, sem):
        base = row0 + g * R
        pltpu.async_copy(h_hbm.at[pl.ds(base, R), :], buf, sem)

    def fire_out(g, buf, sem):
        base = row0 + g * R
        pltpu.async_copy(buf, out_hbm.at[pl.ds(base, R), :], sem)

    def drain(buf, sem):
        pltpu.make_async_copy(h_hbm.at[pl.ds(0, R), :], buf, sem).wait()

    def compute(src, dst):
        @plsc.parallel_loop(0, NJ, step=1)
        def _jb(j):
            cidx = idx_v[pl.ds(j * L, L)]
            for r in range(R):
                rvec = jnp.full((L,), r, jnp.int32)
                dst[r, pl.ds(j * L, L)] = plsc.load_gather(
                    src, [rvec, cidx])

    fire_in(0, in0, sem_i0)
    pltpu.make_async_copy(idx_hbm, idx_v, sem_x).wait()

    def body(t, carry):
        g0 = 2 * t
        fire_in(g0 + 1, in1, sem_i1)
        drain(in0, sem_i0)

        @pl.when(t > 0)
        def _():
            drain(out0, sem_o0)

        compute(in0, out0)
        fire_out(g0, out0, sem_o0)

        @pl.when(g0 + 2 < C)
        def _():
            fire_in(g0 + 2, in0, sem_i0)

        drain(in1, sem_i1)

        @pl.when(t > 0)
        def _():
            drain(out1, sem_o1)

        compute(in1, out1)
        fire_out(g0 + 1, out1, sem_o1)
        return carry

    lax.fori_loop(0, C // 2, body, 0)
    drain(out0, sem_o0)
    drain(out1, sem_o1)


def kernel(h, indices):
    mesh = plsc.VectorSubcoreMesh(core_axis_name="c", subcore_axis_name="s")
    k = pl.kernel(
        _sc_body,
        out_type=jax.ShapeDtypeStruct((B, NZ), jnp.float32),
        mesh=mesh,
        scratch_types=[
            pltpu.VMEM((NZ,), jnp.int32),
            pltpu.VMEM((R, NZ), jnp.float32),
            pltpu.VMEM((R, NZ), jnp.float32),
            pltpu.VMEM((R, NZ), jnp.float32),
            pltpu.VMEM((R, NZ), jnp.float32),
            pltpu.SemaphoreType.DMA,
            pltpu.SemaphoreType.DMA,
            pltpu.SemaphoreType.DMA,
            pltpu.SemaphoreType.DMA,
            pltpu.SemaphoreType.DMA,
        ],
        compiler_params=pltpu.CompilerParams(needs_layout_passes=False),
    )
    return k(h, indices)

# --- scband reference (transcript-rebuilt; emitter-appended) ---
"""Pipeline reference for scband-shuffle-features-10041633538544 (READ-ONLY COPY).

The authoritative reference and input builder live on the scoring server;
editing this copy changes nothing except your own understanding.
"""

import jax, jax.numpy as jnp
import numpy as np


def setup_inputs(seed: int = 0) -> dict:
    key = jax.random.key(seed)
    B = 16384
    nz = 1024
    h = jax.random.normal(key, (B, nz), dtype=jnp.float32)
    # Fixed shuffle permutation (the module builds it in __init__ as a frozen parameter)
    rng = np.random.RandomState(0)
    idx = np.arange(nz)
    rng.shuffle(idx)
    indices = jnp.asarray(idx, dtype=jnp.int32)
    return {"h": h, "indices": indices}


def reference(h, indices):
    # Faithful translation of:
    #   h = h.permute(1, 0)
    #   h = torch.gather(h, dim=0, index=indices)  # row gather by permutation
    #   h = h.permute(1, 0)
    hT = jnp.transpose(h, (1, 0))
    g = jnp.take(hT, indices, axis=0)
    out = jnp.transpose(g, (1, 0))
    return out

if __name__ == "__main__":
    import jax
    _d = setup_inputs()
    print(jax.jit(kernel)(*tuple(_d.values())))

</pallas_src>

<mosaic_0001>
#map = affine_map<(d0, d1) -> (0, 0)>
#map1 = affine_map<(d0, d1) -> (0)>
module attributes {stable_mosaic.version = 14 : i64} {
  func.func @_sc_body(%arg0: i32, %arg1: i32, %arg2: memref<16384x1024xf32, #tpu.memory_space<hbm>>, %arg3: memref<1024xi32, #tpu.memory_space<hbm>>, %arg4: memref<16384x1024xf32, #tpu.memory_space<hbm>>, %arg5: memref<1024xi32, #tpu.memory_space<vmem>>, %arg6: memref<16x1024xf32, #tpu.memory_space<vmem>>, %arg7: memref<16x1024xf32, #tpu.memory_space<vmem>>, %arg8: memref<16x1024xf32, #tpu.memory_space<vmem>>, %arg9: memref<16x1024xf32, #tpu.memory_space<vmem>>, %arg10: memref<!tpu.dma_semaphore, #tpu.memory_space<semaphore_mem>>, %arg11: memref<!tpu.dma_semaphore, #tpu.memory_space<semaphore_mem>>, %arg12: memref<!tpu.dma_semaphore, #tpu.memory_space<semaphore_mem>>, %arg13: memref<!tpu.dma_semaphore, #tpu.memory_space<semaphore_mem>>, %arg14: memref<!tpu.dma_semaphore, #tpu.memory_space<semaphore_mem>>) attributes {dimension_semantics = [#tpu.dimension_semantics<core_parallel>, #tpu.dimension_semantics<subcore_parallel>], iteration_bounds = array<i64: 2, 16>, scalar_prefetch = 0 : i64, scratch_operands = 10 : i64, tpu.core_type = #tpu.core_type<sc_vector_subcore>, window_params = [{transform_indices = #map}, {transform_indices = #map1}, {transform_indices = #map}]} {
    %mul3A = arith.constant 2 : i32
    %mul3A_0 = arith.muli %arg1, %mul3A : i32
    %add3A = arith.addi %mul3A_0, %arg0 : i32
    %mul3A_1 = arith.constant 512 : i32
    %mul3A_2 = arith.muli %add3A, %mul3A_1 : i32
    tpu.enqueue_dma source(%arg3 : memref<1024xi32, #tpu.memory_space<hbm>>) target(%arg5 : memref<1024xi32, #tpu.memory_space<vmem>>) target_semaphore(%arg14 : memref<!tpu.dma_semaphore, #tpu.memory_space<semaphore_mem>>)
    %add3A_3 = arith.constant 0 : i32
    %add3A_4 = arith.addi %mul3A_2, %add3A_3 : i32
    %dma_start3A = arith.constant 0 : i32
    %dma_start3A_5 = tpu.memref_slice %arg2[%add3A_4, %dma_start3A] : memref<16384x1024xf32, #tpu.memory_space<hbm>> -> memref<16x1024xf32, #tpu.memory_space<hbm>>
    %dma_start3A_6 = arith.constant 0 : i32
    %dma_start3A_7 = tpu.memref_slice %arg2[%add3A_4, %dma_start3A_6] : memref<16384x1024xf32, #tpu.memory_space<hbm>> -> memref<16x1024xf32, #tpu.memory_space<hbm>>
    tpu.enqueue_dma source(%dma_start3A_7 : memref<16x1024xf32, #tpu.memory_space<hbm>>) target(%arg6 : memref<16x1024xf32, #tpu.memory_space<vmem>>) target_semaphore(%arg10 : memref<!tpu.dma_semaphore, #tpu.memory_space<semaphore_mem>>)
    tpu.wait_dma2 semaphore(%arg14 : memref<!tpu.dma_semaphore, #tpu.memory_space<semaphore_mem>>) src(%arg3 : memref<1024xi32, #tpu.memory_space<hbm>>) dst(%arg5 : memref<1024xi32, #tpu.memory_space<vmem>>)
    %scan3A = arith.constant 0 : i32
    %scan3A_8 = arith.constant 0 : i32
    %scan3A_9 = arith.constant 16 : i32
    %scan3A_10 = arith.addi %scan3A_8, %scan3A_9 : i32
    %scan3A_11 = arith.constant 1 : i32
    scf.for %scan3A_24 = %scan3A_8 to %scan3A_10 step %scan3A_11  : i32 {
      %mul3A_25 = arith.constant 2 : i32
      %mul3A_26 = arith.muli %mul3A_25, %scan3A_24 : i32
      %add3A_27 = arith.constant 1 : i32
      %add3A_28 = arith.addi %mul3A_26, %add3A_27 : i32
      %mul3A_29 = arith.constant 16 : i32
      %mul3A_30 = arith.muli %add3A_28, %mul3A_29 : i32
      %add3A_31 = arith.addi %mul3A_2, %mul3A_30 : i32
      %dma_start3A_32 = arith.constant 0 : i32
      %dma_start3A_33 = tpu.memref_slice %arg2[%add3A_31, %dma_start3A_32] : memref<16384x1024xf32, #tpu.memory_space<hbm>> -> memref<16x1024xf32, #tpu.memory_space<hbm>>
      %dma_start3A_34 = arith.constant 0 : i32
      %dma_start3A_35 = tpu.memref_slice %arg2[%add3A_31, %dma_start3A_34] : memref<16384x1024xf32, #tpu.memory_space<hbm>> -> memref<16x1024xf32, #tpu.memory_space<hbm>>
      tpu.enqueue_dma source(%dma_start3A_35 : memref<16x1024xf32, #tpu.memory_space<hbm>>) target(%arg7 : memref<16x1024xf32, #tpu.memory_space<vmem>>) target_semaphore(%arg11 : memref<!tpu.dma_semaphore, #tpu.memory_space<semaphore_mem>>)
      %dma_wait3A_36 = arith.constant 0 : i32
      %dma_wait3A_37 = arith.constant 0 : i32
      %dma_wait3A_38 = tpu.memref_slice %arg2[%dma_wait3A_36, %dma_wait3A_37] : memref<16384x1024xf32, #tpu.memory_space<hbm>> -> memref<16x1024xf32, #tpu.memory_space<hbm>>
      %dma_wait3A_39 = arith.constant 0 : i32
      %dma_wait3A_40 = arith.constant 0 : i32
      %dma_wait3A_41 = tpu.memref_slice %arg2[%dma_wait3A_39, %dma_wait3A_40] : memref<16384x1024xf32, #tpu.memory_space<hbm>> -> memref<16x1024xf32, #tpu.memory_space<hbm>>
      tpu.wait_dma2 semaphore(%arg10 : memref<!tpu.dma_semaphore, #tpu.memory_space<semaphore_mem>>) src(%dma_wait3A_41 : memref<16x1024xf32, #tpu.memory_space<hbm>>) dst(%arg6 : memref<16x1024xf32, #tpu.memory_space<vmem>>)
      %gt3A = arith.constant 0 : i32
      %gt3A_42 = arith.cmpi sgt, %scan3A_24, %gt3A : i32
      %convert_element_type3A = arith.extui %gt3A_42 : i1 to i32
      %cond3A = arith.constant 0 : i32
      %cond3A_43 = arith.cmpi ne, %convert_element_type3A, %cond3A : i32
      scf.if %cond3A_43 {
        %dma_wait3A_82 = arith.constant 0 : i32
        %dma_wait3A_83 = arith.constant 0 : i32
        %dma_wait3A_84 = tpu.memref_slice %arg2[%dma_wait3A_82, %dma_wait3A_83] : memref<16384x1024xf32, #tpu.memory_space<hbm>> -> memref<16x1024xf32, #tpu.memory_space<hbm>>
        %dma_wait3A_85 = arith.constant 0 : i32
        %dma_wait3A_86 = arith.constant 0 : i32
        %dma_wait3A_87 = tpu.memref_slice %arg2[%dma_wait3A_85, %dma_wait3A_86] : memref<16384x1024xf32, #tpu.memory_space<hbm>> -> memref<16x1024xf32, #tpu.memory_space<hbm>>
        tpu.wait_dma2 semaphore(%arg12 : memref<!tpu.dma_semaphore, #tpu.memory_space<semaphore_mem>>) src(%dma_wait3A_87 : memref<16x1024xf32, #tpu.memory_space<hbm>>) dst(%arg8 : memref<16x1024xf32, #tpu.memory_space<vmem>>)
      } else {
      }
      %parallel_loop3A = arith.constant 0 : i32
      %parallel_loop3A_44 = arith.constant 64 : i32
      %parallel_loop3A_45 = arith.constant 1 : i32
      scf.for %parallel_loop3A_82 = %parallel_loop3A to %parallel_loop3A_44 step %parallel_loop3A_45  : i32 {
        %parallel_loop3A_83 = arith.constant 16 : i32
        %parallel_loop3A_84 = arith.muli %parallel_loop3A_82, %parallel_loop3A_83 : i32
        %parallel_loop3A_85 = arith.index_cast %parallel_loop3A_84 : i32 to index
        %parallel_loop3A_86 = tpu.vector_load %arg5[%parallel_loop3A_85] {strides = array<i32>} : memref<1024xi32, #tpu.memory_space<vmem>>, vector<16xi32>,
        %parallel_loop3A_87 = arith.constant 0 : i32
        %parallel_loop3A_88 = vector.broadcast %parallel_loop3A_87 : i32 to vector<16xi32>
        %parallel_loop3A_89 = tpu.vector_load_idx %arg6[%parallel_loop3A_88, %parallel_loop3A_86] : memref<16x1024xf32, #tpu.memory_space<vmem>>[vector<16xi32>, vector<16xi32>], vector<16xf32>,
        %parallel_loop3A_90 = arith.constant 16 : i32
        %parallel_loop3A_91 = arith.muli %parallel_loop3A_82, %parallel_loop3A_90 : i32
        %parallel_loop3A_92 = arith.constant 0 : i32
        %parallel_loop3A_93 = arith.index_cast %parallel_loop3A_92 : i32 to index
        %parallel_loop3A_94 = arith.index_cast %parallel_loop3A_91 : i32 to index
        %parallel_loop3A_95 = tpu.vector_load %arg8[%parallel_loop3A_93, %parallel_loop3A_94] {strides = array<i32>} : memref<16x1024xf32, #tpu.memory_space<vmem>>, vector<16xf32>,
        tpu.vector_store %arg8[%parallel_loop3A_93, %parallel_loop3A_94], %parallel_loop3A_89 {strides = array<i32>} : memref<16x1024xf32, #tpu.memory_space<vmem>>, vector<16xf32>,
        %parallel_loop3A_96 = arith.constant 1 : i32
        %parallel_loop3A_97 = vector.broadcast %parallel_loop3A_96 : i32 to vector<16xi32>
        %parallel_loop3A_98 = tpu.vector_load_idx %arg6[%parallel_loop3A_97, %parallel_loop3A_86] : memref<16x1024xf32, #tpu.memory_space<vmem>>[vector<16xi32>, vector<16xi32>], vector<16xf32>,
        %parallel_loop3A_99 = arith.constant 16 : i32
        %parallel_loop3A_100 = arith.muli %parallel_loop3A_82, %parallel_loop3A_99 : i32
        %parallel_loop3A_101 = arith.constant 1 : i32
        %parallel_loop3A_102 = arith.index_cast %parallel_loop3A_101 : i32 to index
        %parallel_loop3A_103 = arith.index_cast %parallel_loop3A_100 : i32 to index
        %parallel_loop3A_104 = tpu.vector_load %arg8[%parallel_loop3A_102, %parallel_loop3A_103] {strides = array<i32>} : memref<16x1024xf32, #tpu.memory_space<vmem>>, vector<16xf32>,
        tpu.vector_store %arg8[%parallel_loop3A_102, %parallel_loop3A_103], %parallel_loop3A_98 {strides = array<i32>} : memref<16x1024xf32, #tpu.memory_space<vmem>>, vector<16xf32>,
        %parallel_loop3A_105 = arith.constant 2 : i32
        %parallel_loop3A_106 = vector.broadcast %parallel_loop3A_105 : i32 to vector<16xi32>
        %parallel_loop3A_107 = tpu.vector_load_idx %arg6[%parallel_loop3A_106, %parallel_loop3A_86] : memref<16x1024xf32, #tpu.memory_space<vmem>>[vector<16xi32>, vector<16xi32>], vector<16xf32>,
        %parallel_loop3A_108 = arith.constant 16 : i32
        %parallel_loop3A_109 = arith.muli %parallel_loop3A_82, %parallel_loop3A_108 : i32
        %parallel_loop3A_110 = arith.constant 2 : i32
        %parallel_loop3A_111 = arith.index_cast %parallel_loop3A_110 : i32 to index
        %parallel_loop3A_112 = arith.index_cast %parallel_loop3A_109 : i32 to index
        %parallel_loop3A_113 = tpu.vector_load %arg8[%parallel_loop3A_111, %parallel_loop3A_112] {strides = array<i32>} : memref<16x1024xf32, #tpu.memory_space<vmem>>, vector<16xf32>,
        tpu.vector_store %arg8[%parallel_loop3A_111, %parallel_loop3A_112], %parallel_loop3A_107 {strides = array<i32>} : memref<16x1024xf32, #tpu.memory_space<vmem>>, vector<16xf32>,
        %parallel_loop3A_114 = arith.constant 3 : i32
        %parallel_loop3A_115 = vector.broadcast %parallel_loop3A_114 : i32 to vector<16xi32>
        %parallel_loop3A_116 = tpu.vector_load_idx %arg6[%parallel_loop3A_115, %parallel_loop3A_86] : memref<16x1024xf32, #tpu.memory_space<vmem>>[vector<16xi32>, vector<16xi32>], vector<16xf32>,
        %parallel_loop3A_117 = arith.constant 16 : i32
        %parallel_loop3A_118 = arith.muli %parallel_loop3A_82, %parallel_loop3A_117 : i32
        %parallel_loop3A_119 = arith.constant 3 : i32
        %parallel_loop3A_120 = arith.index_cast %parallel_loop3A_119 : i32 to index
        %parallel_loop3A_121 = arith.index_cast %parallel_loop3A_118 : i32 to index
        %parallel_loop3A_122 = tpu.vector_load %arg8[%parallel_loop3A_120, %parallel_loop3A_121] {strides = array<i32>} : memref<16x1024xf32, #tpu.memory_space<vmem>>, vector<16xf32>,
        tpu.vector_store %arg8[%parallel_loop3A_120, %parallel_loop3A_121], %parallel_loop3A_116 {strides = array<i32>} : memref<16x1024xf32, #tpu.memory_space<vmem>>, vector<16xf32>,
        %parallel_loop3A_123 = arith.constant 4 : i32
        %parallel_loop3A_124 = vector.broadcast %parallel_loop3A_123 : i32 to vector<16xi32>
        %parallel_loop3A_125 = tpu.vector_load_idx %arg6[%parallel_loop3A_124, %parallel_loop3A_86] : memref<16x1024xf32, #tpu.memory_space<vmem>>[vector<16xi32>, vector<16xi32>], vector<16xf32>,
        %parallel_loop3A_126 = arith.constant 16 : i32
        %parallel_loop3A_127 = arith.muli %parallel_loop3A_82, %parallel_loop3A_126 : i32
        %parallel_loop3A_128 = arith.constant 4 : i32
        %parallel_loop3A_129 = arith.index_cast %parallel_loop3A_128 : i32 to index
        %parallel_loop3A_130 = arith.index_cast %parallel_loop3A_127 : i32 to index
        %parallel_loop3A_131 = tpu.vector_load %arg8[%parallel_loop3A_129, %parallel_loop3A_130] {strides = array<i32>} : memref<16x1024xf32, #tpu.memory_space<vmem>>, vector<16xf32>,
        tpu.vector_store %arg8[%parallel_loop3A_129, %parallel_loop3A_130], %parallel_loop3A_125 {strides = array<i32>} : memref<16x1024xf32, #tpu.memory_space<vmem>>, vector<16xf32>,
        %parallel_loop3A_132 = arith.constant 5 : i32
        %parallel_loop3A_133 = vector.broadcast %parallel_loop3A_132 : i32 to vector<16xi32>
        %parallel_loop3A_134 = tpu.vector_load_idx %arg6[%parallel_loop3A_133, %parallel_loop3A_86] : memref<16x1024xf32, #tpu.memory_space<vmem>>[vector<16xi32>, vector<16xi32>], vector<16xf32>,
        %parallel_loop3A_135 = arith.constant 16 : i32
        %parallel_loop3A_136 = arith.muli %parallel_loop3A_82, %parallel_loop3A_135 : i32
        %parallel_loop3A_137 = arith.constant 5 : i32
        %parallel_loop3A_138 = arith.index_cast %parallel_loop3A_137 : i32 to index
        %parallel_loop3A_139 = arith.index_cast %parallel_loop3A_136 : i32 to index
        %parallel_loop3A_140 = tpu.vector_load %arg8[%parallel_loop3A_138, %parallel_loop3A_139] {strides = array<i32>} : memref<16x1024xf32, #tpu.memory_space<vmem>>, vector<16xf32>,
        tpu.vector_store %arg8[%parallel_loop3A_138, %parallel_loop3A_139], %parallel_loop3A_134 {strides = array<i32>} : memref<16x1024xf32, #tpu.memory_space<vmem>>, vector<16xf32>,
        %parallel_loop3A_141 = arith.constant 6 : i32
        %parallel_loop3A_142 = vector.broadcast %parallel_loop3A_141 : i32 to vector<16xi32>
        %parallel_loop3A_143 = tpu.vector_load_idx %arg6[%parallel_loop3A_142, %parallel_loop3A_86] : memref<16x1024xf32, #tpu.memory_space<vmem>>[vector<16xi32>, vector<16xi32>], vector<16xf32>,
        %parallel_loop3A_144 = arith.constant 16 : i32
        %parallel_loop3A_145 = arith.muli %parallel_loop3A_82, %parallel_loop3A_144 : i32
        %parallel_loop3A_146 = arith.constant 6 : i32
        %parallel_loop3A_147 = arith.index_cast %parallel_loop3A_146 : i32 to index
        %parallel_loop3A_148 = arith.index_cast %parallel_loop3A_145 : i32 to index
        %parallel_loop3A_149 = tpu.vector_load %arg8[%parallel_loop3A_147, %parallel_loop3A_148] {strides = array<i32>} : memref<16x1024xf32, #tpu.memory_space<vmem>>, vector<16xf32>,
        tpu.vector_store %arg8[%parallel_loop3A_147, %parallel_loop3A_148], %parallel_loop3A_143 {strides = array<i32>} : memref<16x1024xf32, #tpu.memory_space<vmem>>, vector<16xf32>,
        %parallel_loop3A_150 = arith.constant 7 : i32
        %parallel_loop3A_151 = vector.broadcast %parallel_loop3A_150 : i32 to vector<16xi32>
        %parallel_loop3A_152 = tpu.vector_load_idx %arg6[%parallel_loop3A_151, %parallel_loop3A_86] : memref<16x1024xf32, #tpu.memory_space<vmem>>[vector<16xi32>, vector<16xi32>], vector<16xf32>,
        %parallel_loop3A_153 = arith.constant 16 : i32
        %parallel_loop3A_154 = arith.muli %parallel_loop3A_82, %parallel_loop3A_153 : i32
        %parallel_loop3A_155 = arith.constant 7 : i32
        %parallel_loop3A_156 = arith.index_cast %parallel_loop3A_155 : i32 to index
        %parallel_loop3A_157 = arith.index_cast %parallel_loop3A_154 : i32 to index
        %parallel_loop3A_158 = tpu.vector_load %arg8[%parallel_loop3A_156, %parallel_loop3A_157] {strides = array<i32>} : memref<16x1024xf32, #tpu.memory_space<vmem>>, vector<16xf32>,
        tpu.vector_store %arg8[%parallel_loop3A_156, %parallel_loop3A_157], %parallel_loop3A_152 {strides = array<i32>} : memref<16x1024xf32, #tpu.memory_space<vmem>>, vector<16xf32>,
        %parallel_loop3A_159 = arith.constant 8 : i32
        %parallel_loop3A_160 = vector.broadcast %parallel_loop3A_159 : i32 to vector<16xi32>
        %parallel_loop3A_161 = tpu.vector_load_idx %arg6[%parallel_loop3A_160, %parallel_loop3A_86] : memref<16x1024xf32, #tpu.memory_space<vmem>>[vector<16xi32>, vector<16xi32>], vector<16xf32>,
        %parallel_loop3A_162 = arith.constant 16 : i32
        %parallel_loop3A_163 = arith.muli %parallel_loop3A_82, %parallel_loop3A_162 : i32
        %parallel_loop3A_164 = arith.constant 8 : i32
        %parallel_loop3A_165 = arith.index_cast %parallel_loop3A_164 : i32 to index
        %parallel_loop3A_166 = arith.index_cast %parallel_loop3A_163 : i32 to index
        %parallel_loop3A_167 = tpu.vector_load %arg8[%parallel_loop3A_165, %parallel_loop3A_166] {strides = array<i32>} : memref<16x1024xf32, #tpu.memory_space<vmem>>, vector<16xf32>,
        tpu.vector_store %arg8[%parallel_loop3A_165, %parallel_loop3A_166], %parallel_loop3A_161 {strides = array<i32>} : memref<16x1024xf32, #tpu.memory_space<vmem>>, vector<16xf32>,
        %parallel_loop3A_168 = arith.constant 9 : i32
        %parallel_loop3A_169 = vector.broadcast %parallel_loop3A_168 : i32 to vector<16xi32>
        %parallel_loop3A_170 = tpu.vector_load_idx %arg6[%parallel_loop3A_169, %parallel_loop3A_86] : memref<16x1024xf32, #tpu.memory_space<vmem>>[vector<16xi32>, vector<16xi32>], vector<16xf32>,
        %parallel_loop3A_171 = arith.constant 16 : i32
        %parallel_loop3A_172 = arith.muli %parallel_loop3A_82, %parallel_loop3A_171 : i32
        %parallel_loop3A_173 = arith.constant 9 : i32
        %parallel_loop3A_174 = arith.index_cast %parallel_loop3A_173 : i32 to index
        %parallel_loop3A_175 = arith.index_cast %parallel_loop3A_172 : i32 to index
        %parallel_loop3A_176 = tpu.vector_load %arg8[%parallel_loop3A_174, %parallel_loop3A_175] {strides = array<i32>} : memref<16x1024xf32, #tpu.memory_space<vmem>>, vector<16xf32>,
        tpu.vector_store %arg8[%parallel_loop3A_174, %parallel_loop3A_175], %parallel_loop3A_170 {strides = array<i32>} : memref<16x1024xf32, #tpu.memory_space<vmem>>, vector<16xf32>,
        %parallel_loop3A_177 = arith.constant 10 : i32
        %parallel_loop3A_178 = vector.broadcast %parallel_loop3A_177 : i32 to vector<16xi32>
        %parallel_loop3A_179 = tpu.vector_load_idx %arg6[%parallel_loop3A_178, %parallel_loop3A_86] : memref<16x1024xf32, #tpu.memory_space<vmem>>[vector<16xi32>, vector<16xi32>], vector<16xf32>,
        %parallel_loop3A_180 = arith.constant 16 : i32
        %parallel_loop3A_181 = arith.muli %parallel_loop3A_82, %parallel_loop3A_180 : i32
        %parallel_loop3A_182 = arith.constant 10 : i32
        %parallel_loop3A_183 = arith.index_cast %parallel_loop3A_182 : i32 to index
        %parallel_loop3A_184 = arith.index_cast %parallel_loop3A_181 : i32 to index
        %parallel_loop3A_185 = tpu.vector_load %arg8[%parallel_loop3A_183, %parallel_loop3A_184] {strides = array<i32>} : memref<16x1024xf32, #tpu.memory_space<vmem>>, vector<16xf32>,
        tpu.vector_store %arg8[%parallel_loop3A_183, %parallel_loop3A_184], %parallel_loop3A_179 {strides = array<i32>} : memref<16x1024xf32, #tpu.memory_space<vmem>>, vector<16xf32>,
        %parallel_loop3A_186 = arith.constant 11 : i32
        %parallel_loop3A_187 = vector.broadcast %parallel_loop3A_186 : i32 to vector<16xi32>
        %parallel_loop3A_188 = tpu.vector_load_idx %arg6[%parallel_loop3A_187, %parallel_loop3A_86] : memref<16x1024xf32, #tpu.memory_space<vmem>>[vector<16xi32>, vector<16xi32>], vector<16xf32>,
        %parallel_loop3A_189 = arith.constant 16 : i32
        %parallel_loop3A_190 = arith.muli %parallel_loop3A_82, %parallel_loop3A_189 : i32
        %parallel_loop3A_191 = arith.constant 11 : i32
        %parallel_loop3A_192 = arith.index_cast %parallel_loop3A_191 : i32 to index
        %parallel_loop3A_193 = arith.index_cast %parallel_loop3A_190 : i32 to index
        %parallel_loop3A_194 = tpu.vector_load %arg8[%parallel_loop3A_192, %parallel_loop3A_193] {strides = array<i32>} : memref<16x1024xf32, #tpu.memory_space<vmem>>, vector<16xf32>,
        tpu.vector_store %arg8[%parallel_loop3A_192, %parallel_loop3A_193], %parallel_loop3A_188 {strides = array<i32>} : memref<16x1024xf32, #tpu.memory_space<vmem>>, vector<16xf32>,
        %parallel_loop3A_195 = arith.constant 12 : i32
        %parallel_loop3A_196 = vector.broadcast %parallel_loop3A_195 : i32 to vector<16xi32>
        %parallel_loop3A_197 = tpu.vector_load_idx %arg6[%parallel_loop3A_196, %parallel_loop3A_86] : memref<16x1024xf32, #tpu.memory_space<vmem>>[vector<16xi32>, vector<16xi32>], vector<16xf32>,
        %parallel_loop3A_198 = arith.constant 16 : i32
        %parallel_loop3A_199 = arith.muli %parallel_loop3A_82, %parallel_loop3A_198 : i32
        %parallel_loop3A_200 = arith.constant 12 : i32
        %parallel_loop3A_201 = arith.index_cast %parallel_loop3A_200 : i32 to index
        %parallel_loop3A_202 = arith.index_cast %parallel_loop3A_199 : i32 to index
        %parallel_loop3A_203 = tpu.vector_load %arg8[%parallel_loop3A_201, %parallel_loop3A_202] {strides = array<i32>} : memref<16x1024xf32, #tpu.memory_space<vmem>>, vector<16xf32>,
        tpu.vector_store %arg8[%parallel_loop3A_201, %parallel_loop3A_202], %parallel_loop3A_197 {strides = array<i32>} : memref<16x1024xf32, #tpu.memory_space<vmem>>, vector<16xf32>,
        %parallel_loop3A_204 = arith.constant 13 : i32
        %parallel_loop3A_205 = vector.broadcast %parallel_loop3A_204 : i32 to vector<16xi32>
        %parallel_loop3A_206 = tpu.vector_load_idx %arg6[%parallel_loop3A_205, %parallel_loop3A_86] : memref<16x1024xf32, #tpu.memory_space<vmem>>[vector<16xi32>, vector<16xi32>], vector<16xf32>,
        %parallel_loop3A_207 = arith.constant 16 : i32
        %parallel_loop3A_208 = arith.muli %parallel_loop3A_82, %parallel_loop3A_207 : i32
        %parallel_loop3A_209 = arith.constant 13 : i32
        %parallel_loop3A_210 = arith.index_cast %parallel_loop3A_209 : i32 to index
        %parallel_loop3A_211 = arith.index_cast %parallel_loop3A_208 : i32 to index
        %parallel_loop3A_212 = tpu.vector_load %arg8[%parallel_loop3A_210, %parallel_loop3A_211] {strides = array<i32>} : memref<16x1024xf32, #tpu.memory_space<vmem>>, vector<16xf32>,
        tpu.vector_store %arg8[%parallel_loop3A_210, %parallel_loop3A_211], %parallel_loop3A_206 {strides = array<i32>} : memref<16x1024xf32, #tpu.memory_space<vmem>>, vector<16xf32>,
        %parallel_loop3A_213 = arith.constant 14 : i32
        %parallel_loop3A_214 = vector.broadcast %parallel_loop3A_213 : i32 to vector<16xi32>
        %parallel_loop3A_215 = tpu.vector_load_idx %arg6[%parallel_loop3A_214, %parallel_loop3A_86] : memref<16x1024xf32, #tpu.memory_space<vmem>>[vector<16xi32>, vector<16xi32>], vector<16xf32>,
        %parallel_loop3A_216 = arith.constant 16 : i32
        %parallel_loop3A_217 = arith.muli %parallel_loop3A_82, %parallel_loop3A_216 : i32
        %parallel_loop3A_218 = arith.constant 14 : i32
        %parallel_loop3A_219 = arith.index_cast %parallel_loop3A_218 : i32 to index
        %parallel_loop3A_220 = arith.index_cast %parallel_loop3A_217 : i32 to index
        %parallel_loop3A_221 = tpu.vector_load %arg8[%parallel_loop3A_219, %parallel_loop3A_220] {strides = array<i32>} : memref<16x1024xf32, #tpu.memory_space<vmem>>, vector<16xf32>,
        tpu.vector_store %arg8[%parallel_loop3A_219, %parallel_loop3A_220], %parallel_loop3A_215 {strides = array<i32>} : memref<16x1024xf32, #tpu.memory_space<vmem>>, vector<16xf32>,
        %parallel_loop3A_222 = arith.constant 15 : i32
        %parallel_loop3A_223 = vector.broadcast %parallel_loop3A_222 : i32 to vector<16xi32>
        %parallel_loop3A_224 = tpu.vector_load_idx %arg6[%parallel_loop3A_223, %parallel_loop3A_86] : memref<16x1024xf32, #tpu.memory_space<vmem>>[vector<16xi32>, vector<16xi32>], vector<16xf32>,
        %parallel_loop3A_225 = arith.constant 16 : i32
        %parallel_loop3A_226 = arith.muli %parallel_loop3A_82, %parallel_loop3A_225 : i32
        %parallel_loop3A_227 = arith.constant 15 : i32
        %parallel_loop3A_228 = arith.index_cast %parallel_loop3A_227 : i32 to index
        %parallel_loop3A_229 = arith.index_cast %parallel_loop3A_226 : i32 to index
        %parallel_loop3A_230 = tpu.vector_load %arg8[%parallel_loop3A_228, %parallel_loop3A_229] {strides = array<i32>} : memref<16x1024xf32, #tpu.memory_space<vmem>>, vector<16xf32>,
        tpu.vector_store %arg8[%parallel_loop3A_228, %parallel_loop3A_229], %parallel_loop3A_224 {strides = array<i32>} : memref<16x1024xf32, #tpu.memory_space<vmem>>, vector<16xf32>,
      } {sc.loop_unroll_factor = 1 : i64, sc.parallel_access}
      %mul3A_46 = arith.constant 16 : i32
      %mul3A_47 = arith.muli %mul3A_26, %mul3A_46 : i32
      %add3A_48 = arith.addi %mul3A_2, %mul3A_47 : i32
      %dma_start3A_49 = arith.constant 0 : i32
      %dma_start3A_50 = tpu.memref_slice %arg4[%add3A_48, %dma_start3A_49] : memref<16384x1024xf32, #tpu.memory_space<hbm>> -> memref<16x1024xf32, #tpu.memory_space<hbm>>
      %dma_start3A_51 = arith.constant 0 : i32
      %dma_start3A_52 = tpu.memref_slice %arg4[%add3A_48, %dma_start3A_51] : memref<16384x1024xf32, #tpu.memory_space<hbm>> -> memref<16x1024xf32, #tpu.memory_space<hbm>>
      tpu.enqueue_dma source(%arg8 : memref<16x1024xf32, #tpu.memory_space<vmem>>) target(%dma_start3A_52 : memref<16x1024xf32, #tpu.memory_space<hbm>>) target_semaphore(%arg12 : memref<!tpu.dma_semaphore, #tpu.memory_space<semaphore_mem>>)
      %add3A_53 = arith.constant 2 : i32
      %add3A_54 = arith.addi %mul3A_26, %add3A_53 : i32
      %lt3A = arith.constant 32 : i32
      %lt3A_55 = arith.cmpi slt, %add3A_54, %lt3A : i32
      %convert_element_type3A_56 = arith.extui %lt3A_55 : i1 to i32
      %cond3A_57 = arith.constant 0 : i32
      %cond3A_58 = arith.cmpi ne, %convert_element_type3A_56, %cond3A_57 : i32
      scf.if %cond3A_58 {
        %add3A_82 = arith.constant 2 : i32
        %add3A_83 = arith.addi %mul3A_26, %add3A_82 : i32
        %mul3A_84 = arith.constant 16 : i32
        %mul3A_85 = arith.muli %add3A_83, %mul3A_84 : i32
        %add3A_86 = arith.addi %mul3A_2, %mul3A_85 : i32
        %dma_start3A_87 = arith.constant 0 : i32
        %dma_start3A_88 = tpu.memref_slice %arg2[%add3A_86, %dma_start3A_87] : memref<16384x1024xf32, #tpu.memory_space<hbm>> -> memref<16x1024xf32, #tpu.memory_space<hbm>>
        %dma_start3A_89 = arith.constant 0 : i32
        %dma_start3A_90 = tpu.memref_slice %arg2[%add3A_86, %dma_start3A_89] : memref<16384x1024xf32, #tpu.memory_space<hbm>> -> memref<16x1024xf32, #tpu.memory_space<hbm>>
        tpu.enqueue_dma source(%dma_start3A_90 : memref<16x1024xf32, #tpu.memory_space<hbm>>) target(%arg6 : memref<16x1024xf32, #tpu.memory_space<vmem>>) target_semaphore(%arg10 : memref<!tpu.dma_semaphore, #tpu.memory_space<semaphore_mem>>)
      } else {
      }
      %dma_wait3A_59 = arith.constant 0 : i32
      %dma_wait3A_60 = arith.constant 0 : i32
      %dma_wait3A_61 = tpu.memref_slice %arg2[%dma_wait3A_59, %dma_wait3A_60] : memref<16384x1024xf32, #tpu.memory_space<hbm>> -> memref<16x1024xf32, #tpu.memory_space<hbm>>
      %dma_wait3A_62 = arith.constant 0 : i32
      %dma_wait3A_63 = arith.constant 0 : i32
      %dma_wait3A_64 = tpu.memref_slice %arg2[%dma_wait3A_62, %dma_wait3A_63] : memref<16384x1024xf32, #tpu.memory_space<hbm>> -> memref<16x1024xf32, #tpu.memory_space<hbm>>
      tpu.wait_dma2 semaphore(%arg11 : memref<!tpu.dma_semaphore, #tpu.memory_space<semaphore_mem>>) src(%dma_wait3A_64 : memref<16x1024xf32, #tpu.memory_space<hbm>>) dst(%arg7 : memref<16x1024xf32, #tpu.memory_space<vmem>>)
      %gt3A_65 = arith.constant 0 : i32
      %gt3A_66 = arith.cmpi sgt, %scan3A_24, %gt3A_65 : i32
      %convert_element_type3A_67 = arith.extui %gt3A_66 : i1 to i32
      %cond3A_68 = arith.constant 0 : i32
      %cond3A_69 = arith.cmpi ne, %convert_element_type3A_67, %cond3A_68 : i32
      scf.if %cond3A_69 {
        %dma_wait3A_82 = arith.constant 0 : i32
        %dma_wait3A_83 = arith.constant 0 : i32
        %dma_wait3A_84 = tpu.memref_slice %arg2[%dma_wait3A_82, %dma_wait3A_83] : memref<16384x1024xf32, #tpu.memory_space<hbm>> -> memref<16x1024xf32, #tpu.memory_space<hbm>>
        %dma_wait3A_85 = arith.constant 0 : i32
        %dma_wait3A_86 = arith.constant 0 : i32
        %dma_wait3A_87 = tpu.memref_slice %arg2[%dma_wait3A_85, %dma_wait3A_86] : memref<16384x1024xf32, #tpu.memory_space<hbm>> -> memref<16x1024xf32, #tpu.memory_space<hbm>>
        tpu.wait_dma2 semaphore(%arg13 : memref<!tpu.dma_semaphore, #tpu.memory_space<semaphore_mem>>) src(%dma_wait3A_87 : memref<16x1024xf32, #tpu.memory_space<hbm>>) dst(%arg9 : memref<16x1024xf32, #tpu.memory_space<vmem>>)
      } else {
      }
      %parallel_loop3A_70 = arith.constant 0 : i32
      %parallel_loop3A_71 = arith.constant 64 : i32
      %parallel_loop3A_72 = arith.constant 1 : i32
      scf.for %parallel_loop3A_82 = %parallel_loop3A_70 to %parallel_loop3A_71 step %parallel_loop3A_72  : i32 {
        %parallel_loop3A_83 = arith.constant 16 : i32
        %parallel_loop3A_84 = arith.muli %parallel_loop3A_82, %parallel_loop3A_83 : i32
        %parallel_loop3A_85 = arith.index_cast %parallel_loop3A_84 : i32 to index
        %parallel_loop3A_86 = tpu.vector_load %arg5[%parallel_loop3A_85] {strides = array<i32>} : memref<1024xi32, #tpu.memory_space<vmem>>, vector<16xi32>,
        %parallel_loop3A_87 = arith.constant 0 : i32
        %parallel_loop3A_88 = vector.broadcast %parallel_loop3A_87 : i32 to vector<16xi32>
        %parallel_loop3A_89 = tpu.vector_load_idx %arg7[%parallel_loop3A_88, %parallel_loop3A_86] : memref<16x1024xf32, #tpu.memory_space<vmem>>[vector<16xi32>, vector<16xi32>], vector<16xf32>,
        %parallel_loop3A_90 = arith.constant 16 : i32
        %parallel_loop3A_91 = arith.muli %parallel_loop3A_82, %parallel_loop3A_90 : i32
        %parallel_loop3A_92 = arith.constant 0 : i32
        %parallel_loop3A_93 = arith.index_cast %parallel_loop3A_92 : i32 to index
        %parallel_loop3A_94 = arith.index_cast %parallel_loop3A_91 : i32 to index
        %parallel_loop3A_95 = tpu.vector_load %arg9[%parallel_loop3A_93, %parallel_loop3A_94] {strides = array<i32>} : memref<16x1024xf32, #tpu.memory_space<vmem>>, vector<16xf32>,
        tpu.vector_store %arg9[%parallel_loop3A_93, %parallel_loop3A_94], %parallel_loop3A_89 {strides = array<i32>} : memref<16x1024xf32, #tpu.memory_space<vmem>>, vector<16xf32>,
        %parallel_loop3A_96 = arith.constant 1 : i32
        %parallel_loop3A_97 = vector.broadcast %parallel_loop3A_96 : i32 to vector<16xi32>
        %parallel_loop3A_98 = tpu.vector_load_idx %arg7[%parallel_loop3A_97, %parallel_loop3A_86] : memref<16x1024xf32, #tpu.memory_space<vmem>>[vector<16xi32>, vector<16xi32>], vector<16xf32>,
        %parallel_loop3A_99 = arith.constant 16 : i32
        %parallel_loop3A_100 = arith.muli %parallel_loop3A_82, %parallel_loop3A_99 : i32
        %parallel_loop3A_101 = arith.constant 1 : i32
        %parallel_loop3A_102 = arith.index_cast %parallel_loop3A_101 : i32 to index
        %parallel_loop3A_103 = arith.index_cast %parallel_loop3A_100 : i32 to index
        %parallel_loop3A_104 = tpu.vector_load %arg9[%parallel_loop3A_102, %parallel_loop3A_103] {strides = array<i32>} : memref<16x1024xf32, #tpu.memory_space<vmem>>, vector<16xf32>,
        tpu.vector_store %arg9[%parallel_loop3A_102, %parallel_loop3A_103], %parallel_loop3A_98 {strides = array<i32>} : memref<16x1024xf32, #tpu.memory_space<vmem>>, vector<16xf32>,
        %parallel_loop3A_105 = arith.constant 2 : i32
        %parallel_loop3A_106 = vector.broadcast %parallel_loop3A_105 : i32 to vector<16xi32>
        %parallel_loop3A_107 = tpu.vector_load_idx %arg7[%parallel_loop3A_106, %parallel_loop3A_86] : memref<16x1024xf32, #tpu.memory_space<vmem>>[vector<16xi32>, vector<16xi32>], vector<16xf32>,
        %parallel_loop3A_108 = arith.constant 16 : i32
        %parallel_loop3A_109 = arith.muli %parallel_loop3A_82, %parallel_loop3A_108 : i32
        %parallel_loop3A_110 = arith.constant 2 : i32
        %parallel_loop3A_111 = arith.index_cast %parallel_loop3A_110 : i32 to index
        %parallel_loop3A_112 = arith.index_cast %parallel_loop3A_109 : i32 to index
        %parallel_loop3A_113 = tpu.vector_load %arg9[%parallel_loop3A_111, %parallel_loop3A_112] {strides = array<i32>} : memref<16x1024xf32, #tpu.memory_space<vmem>>, vector<16xf32>,
        tpu.vector_store %arg9[%parallel_loop3A_111, %parallel_loop3A_112], %parallel_loop3A_107 {strides = array<i32>} : memref<16x1024xf32, #tpu.memory_space<vmem>>, vector<16xf32>,
        %parallel_loop3A_114 = arith.constant 3 : i32
        %parallel_loop3A_115 = vector.broadcast %parallel_loop3A_114 : i32 to vector<16xi32>
        %parallel_loop3A_116 = tpu.vector_load_idx %arg7[%parallel_loop3A_115, %parallel_loop3A_86] : memref<16x1024xf32, #tpu.memory_space<vmem>>[vector<16xi32>, vector<16xi32>], vector<16xf32>,
        %parallel_loop3A_117 = arith.constant 16 : i32
        %parallel_loop3A_118 = arith.muli %parallel_loop3A_82, %parallel_loop3A_117 : i32
        %parallel_loop3A_119 = arith.constant 3 : i32
        %parallel_loop3A_120 = arith.index_cast %parallel_loop3A_119 : i32 to index
        %parallel_loop3A_121 = arith.index_cast %parallel_loop3A_118 : i32 to index
        %parallel_loop3A_122 = tpu.vector_load %arg9[%parallel_loop3A_120, %parallel_loop3A_121] {strides = array<i32>} : memref<16x1024xf32, #tpu.memory_space<vmem>>, vector<16xf32>,
        tpu.vector_store %arg9[%parallel_loop3A_120, %parallel_loop3A_121], %parallel_loop3A_116 {strides = array<i32>} : memref<16x1024xf32, #tpu.memory_space<vmem>>, vector<16xf32>,
        %parallel_loop3A_123 = arith.constant 4 : i32
        %parallel_loop3A_124 = vector.broadcast %parallel_loop3A_123 : i32 to vector<16xi32>
        %parallel_loop3A_125 = tpu.vector_load_idx %arg7[%parallel_loop3A_124, %parallel_loop3A_86] : memref<16x1024xf32, #tpu.memory_space<vmem>>[vector<16xi32>, vector<16xi32>], vector<16xf32>,
        %parallel_loop3A_126 = arith.constant 16 : i32
        %parallel_loop3A_127 = arith.muli %parallel_loop3A_82, %parallel_loop3A_126 : i32
        %parallel_loop3A_128 = arith.constant 4 : i32
        %parallel_loop3A_129 = arith.index_cast %parallel_loop3A_128 : i32 to index
        %parallel_loop3A_130 = arith.index_cast %parallel_loop3A_127 : i32 to index
        %parallel_loop3A_131 = tpu.vector_load %arg9[%parallel_loop3A_129, %parallel_loop3A_130] {strides = array<i32>} : memref<16x1024xf32, #tpu.memory_space<vmem>>, vector<16xf32>,
        tpu.vector_store %arg9[%parallel_loop3A_129, %parallel_loop3A_130], %parallel_loop3A_125 {strides = array<i32>} : memref<16x1024xf32, #tpu.memory_space<vmem>>, vector<16xf32>,
        %parallel_loop3A_132 = arith.constant 5 : i32
        %parallel_loop3A_133 = vector.broadcast %parallel_loop3A_132 : i32 to vector<16xi32>
        %parallel_loop3A_134 = tpu.vector_load_idx %arg7[%parallel_loop3A_133, %parallel_loop3A_86] : memref<16x1024xf32, #tpu.memory_space<vmem>>[vector<16xi32>, vector<16xi32>], vector<16xf32>,
        %parallel_loop3A_135 = arith.constant 16 : i32
        %parallel_loop3A_136 = arith.muli %parallel_loop3A_82, %parallel_loop3A_135 : i32
        %parallel_loop3A_137 = arith.constant 5 : i32
        %parallel_loop3A_138 = arith.index_cast %parallel_loop3A_137 : i32 to index
        %parallel_loop3A_139 = arith.index_cast %parallel_loop3A_136 : i32 to index
        %parallel_loop3A_140 = tpu.vector_load %arg9[%parallel_loop3A_138, %parallel_loop3A_139] {strides = array<i32>} : memref<16x1024xf32, #tpu.memory_space<vmem>>, vector<16xf32>,
        tpu.vector_store %arg9[%parallel_loop3A_138, %parallel_loop3A_139], %parallel_loop3A_134 {strides = array<i32>} : memref<16x1024xf32, #tpu.memory_space<vmem>>, vector<16xf32>,
        %parallel_loop3A_141 = arith.constant 6 : i32
        %parallel_loop3A_142 = vector.broadcast %parallel_loop3A_141 : i32 to vector<16xi32>
        %parallel_loop3A_143 = tpu.vector_load_idx %arg7[%parallel_loop3A_142, %parallel_loop3A_86] : memref<16x1024xf32, #tpu.memory_space<vmem>>[vector<16xi32>, vector<16xi32>], vector<16xf32>,
        %parallel_loop3A_144 = arith.constant 16 : i32
        %parallel_loop3A_145 = arith.muli %parallel_loop3A_82, %parallel_loop3A_144 : i32
        %parallel_loop3A_146 = arith.constant 6 : i32
        %parallel_loop3A_147 = arith.index_cast %parallel_loop3A_146 : i32 to index
        %parallel_loop3A_148 = arith.index_cast %parallel_loop3A_145 : i32 to index
        %parallel_loop3A_149 = tpu.vector_load %arg9[%parallel_loop3A_147, %parallel_loop3A_148] {strides = array<i32>} : memref<16x1024xf32, #tpu.memory_space<vmem>>, vector<16xf32>,
        tpu.vector_store %arg9[%parallel_loop3A_147, %parallel_loop3A_148], %parallel_loop3A_143 {strides = array<i32>} : memref<16x1024xf32, #tpu.memory_space<vmem>>, vector<16xf32>,
        %parallel_loop3A_150 = arith.constant 7 : i32
        %parallel_loop3A_151 = vector.broadcast %parallel_loop3A_150 : i32 to vector<16xi32>
        %parallel_loop3A_152 = tpu.vector_load_idx %arg7[%parallel_loop3A_151, %parallel_loop3A_86] : memref<16x1024xf32, #tpu.memory_space<vmem>>[vector<16xi32>, vector<16xi32>], vector<16xf32>,
        %parallel_loop3A_153 = arith.constant 16 : i32
        %parallel_loop3A_154 = arith.muli %parallel_loop3A_82, %parallel_loop3A_153 : i32
        %parallel_loop3A_155 = arith.constant 7 : i32
        %parallel_loop3A_156 = arith.index_cast %parallel_loop3A_155 : i32 to index
        %parallel_loop3A_157 = arith.index_cast %parallel_loop3A_154 : i32 to index
        %parallel_loop3A_158 = tpu.vector_load %arg9[%parallel_loop3A_156, %parallel_loop3A_157] {strides = array<i32>} : memref<16x1024xf32, #tpu.memory_space<vmem>>, vector<16xf32>,
        tpu.vector_store %arg9[%parallel_loop3A_156, %parallel_loop3A_157], %parallel_loop3A_152 {strides = array<i32>} : memref<16x1024xf32, #tpu.memory_space<vmem>>, vector<16xf32>,
        %parallel_loop3A_159 = arith.constant 8 : i32
        %parallel_loop3A_160 = vector.broadcast %parallel_loop3A_159 : i32 to vector<16xi32>
        %parallel_loop3A_161 = tpu.vector_load_idx %arg7[%parallel_loop3A_160, %parallel_loop3A_86] : memref<16x1024xf32, #tpu.memory_space<vmem>>[vector<16xi32>, vector<16xi32>], vector<16xf32>,
        %parallel_loop3A_162 = arith.constant 16 : i32
        %parallel_loop3A_163 = arith.muli %parallel_loop3A_82, %parallel_loop3A_162 : i32
        %parallel_loop3A_164 = arith.constant 8 : i32
        %parallel_loop3A_165 = arith.index_cast %parallel_loop3A_164 : i32 to index
        %parallel_loop3A_166 = arith.index_cast %parallel_loop3A_163 : i32 to index
        %parallel_loop3A_167 = tpu.vector_load %arg9[%parallel_loop3A_165, %parallel_loop3A_166] {strides = array<i32>} : memref<16x1024xf32, #tpu.memory_space<vmem>>, vector<16xf32>,
        tpu.vector_store %arg9[%parallel_loop3A_165, %parallel_loop3A_166], %parallel_loop3A_161 {strides = array<i32>} : memref<16x1024xf32, #tpu.memory_space<vmem>>, vector<16xf32>,
        %parallel_loop3A_168 = arith.constant 9 : i32
        %parallel_loop3A_169 = vector.broadcast %parallel_loop3A_168 : i32 to vector<16xi32>
        %parallel_loop3A_170 = tpu.vector_load_idx %arg7[%parallel_loop3A_169, %parallel_loop3A_86] : memref<16x1024xf32, #tpu.memory_space<vmem>>[vector<16xi32>, vector<16xi32>], vector<16xf32>,
        %parallel_loop3A_171 = arith.constant 16 : i32
        %parallel_loop3A_172 = arith.muli %parallel_loop3A_82, %parallel_loop3A_171 : i32
        %parallel_loop3A_173 = arith.constant 9 : i32
        %parallel_loop3A_174 = arith.index_cast %parallel_loop3A_173 : i32 to index
        %parallel_loop3A_175 = arith.index_cast %parallel_loop3A_172 : i32 to index
        %parallel_loop3A_176 = tpu.vector_load %arg9[%parallel_loop3A_174, %parallel_loop3A_175] {strides = array<i32>} : memref<16x1024xf32, #tpu.memory_space<vmem>>, vector<16xf32>,
        tpu.vector_store %arg9[%parallel_loop3A_174, %parallel_loop3A_175], %parallel_loop3A_170 {strides = array<i32>} : memref<16x1024xf32, #tpu.memory_space<vmem>>, vector<16xf32>,
        %parallel_loop3A_177 = arith.constant 10 : i32
        %parallel_loop3A_178 = vector.broadcast %parallel_loop3A_177 : i32 to vector<16xi32>
        %parallel_loop3A_179 = tpu.vector_load_idx %arg7[%parallel_loop3A_178, %parallel_loop3A_86] : memref<16x1024xf32, #tpu.memory_space<vmem>>[vector<16xi32>, vector<16xi32>], vector<16xf32>,
        %parallel_loop3A_180 = arith.constant 16 : i32
        %parallel_loop3A_181 = arith.muli %parallel_loop3A_82, %parallel_loop3A_180 : i32
        %parallel_loop3A_182 = arith.constant 10 : i32
        %parallel_loop3A_183 = arith.index_cast %parallel_loop3A_182 : i32 to index
        %parallel_loop3A_184 = arith.index_cast %parallel_loop3A_181 : i32 to index
        %parallel_loop3A_185 = tpu.vector_load %arg9[%parallel_loop3A_183, %parallel_loop3A_184] {strides = array<i32>} : memref<16x1024xf32, #tpu.memory_space<vmem>>, vector<16xf32>,
        tpu.vector_store %arg9[%parallel_loop3A_183, %parallel_loop3A_184], %parallel_loop3A_179 {strides = array<i32>} : memref<16x1024xf32, #tpu.memory_space<vmem>>, vector<16xf32>,
        %parallel_loop3A_186 = arith.constant 11 : i32
        %parallel_loop3A_187 = vector.broadcast %parallel_loop3A_186 : i32 to vector<16xi32>
        %parallel_loop3A_188 = tpu.vector_load_idx %arg7[%parallel_loop3A_187, %parallel_loop3A_86] : memref<16x1024xf32, #tpu.memory_space<vmem>>[vector<16xi32>, vector<16xi32>], vector<16xf32>,
        %parallel_loop3A_189 = arith.constant 16 : i32
        %parallel_loop3A_190 = arith.muli %parallel_loop3A_82, %parallel_loop3A_189 : i32
        %parallel_loop3A_191 = arith.constant 11 : i32
        %parallel_loop3A_192 = arith.index_cast %parallel_loop3A_191 : i32 to index
        %parallel_loop3A_193 = arith.index_cast %parallel_loop3A_190 : i32 to index
        %parallel_loop3A_194 = tpu.vector_load %arg9[%parallel_loop3A_192, %parallel_loop3A_193] {strides = array<i32>} : memref<16x1024xf32, #tpu.memory_space<vmem>>, vector<16xf32>,
        tpu.vector_store %arg9[%parallel_loop3A_192, %parallel_loop3A_193], %parallel_loop3A_188 {strides = array<i32>} : memref<16x1024xf32, #tpu.memory_space<vmem>>, vector<16xf32>,
        %parallel_loop3A_195 = arith.constant 12 : i32
        %parallel_loop3A_196 = vector.broadcast %parallel_loop3A_195 : i32 to vector<16xi32>
        %parallel_loop3A_197 = tpu.vector_load_idx %arg7[%parallel_loop3A_196, %parallel_loop3A_86] : memref<16x1024xf32, #tpu.memory_space<vmem>>[vector<16xi32>, vector<16xi32>], vector<16xf32>,
        %parallel_loop3A_198 = arith.constant 16 : i32
        %parallel_loop3A_199 = arith.muli %parallel_loop3A_82, %parallel_loop3A_198 : i32
        %parallel_loop3A_200 = arith.constant 12 : i32
        %parallel_loop3A_201 = arith.index_cast %parallel_loop3A_200 : i32 to index
        %parallel_loop3A_202 = arith.index_cast %parallel_loop3A_199 : i32 to index
        %parallel_loop3A_203 = tpu.vector_load %arg9[%parallel_loop3A_201, %parallel_loop3A_202] {strides = array<i32>} : memref<16x1024xf32, #tpu.memory_space<vmem>>, vector<16xf32>,
        tpu.vector_store %arg9[%parallel_loop3A_201, %parallel_loop3A_202], %parallel_loop3A_197 {strides = array<i32>} : memref<16x1024xf32, #tpu.memory_space<vmem>>, vector<16xf32>,
        %parallel_loop3A_204 = arith.constant 13 : i32
        %parallel_loop3A_205 = vector.broadcast %parallel_loop3A_204 : i32 to vector<16xi32>
        %parallel_loop3A_206 = tpu.vector_load_idx %arg7[%parallel_loop3A_205, %parallel_loop3A_86] : memref<16x1024xf32, #tpu.memory_space<vmem>>[vector<16xi32>, vector<16xi32>], vector<16xf32>,
        %parallel_loop3A_207 = arith.constant 16 : i32
        %parallel_loop3A_208 = arith.muli %parallel_loop3A_82, %parallel_loop3A_207 : i32
        %parallel_loop3A_209 = arith.constant 13 : i32
        %parallel_loop3A_210 = arith.index_cast %parallel_loop3A_209 : i32 to index
        %parallel_loop3A_211 = arith.index_cast %parallel_loop3A_208 : i32 to index
        %parallel_loop3A_212 = tpu.vector_load %arg9[%parallel_loop3A_210, %parallel_loop3A_211] {strides = array<i32>} : memref<16x1024xf32, #tpu.memory_space<vmem>>, vector<16xf32>,
        tpu.vector_store %arg9[%parallel_loop3A_210, %parallel_loop3A_211], %parallel_loop3A_206 {strides = array<i32>} : memref<16x1024xf32, #tpu.memory_space<vmem>>, vector<16xf32>,
        %parallel_loop3A_213 = arith.constant 14 : i32
        %parallel_loop3A_214 = vector.broadcast %parallel_loop3A_213 : i32 to vector<16xi32>
        %parallel_loop3A_215 = tpu.vector_load_idx %arg7[%parallel_loop3A_214, %parallel_loop3A_86] : memref<16x1024xf32, #tpu.memory_space<vmem>>[vector<16xi32>, vector<16xi32>], vector<16xf32>,
        %parallel_loop3A_216 = arith.constant 16 : i32
        %parallel_loop3A_217 = arith.muli %parallel_loop3A_82, %parallel_loop3A_216 : i32
        %parallel_loop3A_218 = arith.constant 14 : i32
        %parallel_loop3A_219 = arith.index_cast %parallel_loop3A_218 : i32 to index
        %parallel_loop3A_220 = arith.index_cast %parallel_loop3A_217 : i32 to index
        %parallel_loop3A_221 = tpu.vector_load %arg9[%parallel_loop3A_219, %parallel_loop3A_220] {strides = array<i32>} : memref<16x1024xf32, #tpu.memory_space<vmem>>, vector<16xf32>,
        tpu.vector_store %arg9[%parallel_loop3A_219, %parallel_loop3A_220], %parallel_loop3A_215 {strides = array<i32>} : memref<16x1024xf32, #tpu.memory_space<vmem>>, vector<16xf32>,
        %parallel_loop3A_222 = arith.constant 15 : i32
        %parallel_loop3A_223 = vector.broadcast %parallel_loop3A_222 : i32 to vector<16xi32>
        %parallel_loop3A_224 = tpu.vector_load_idx %arg7[%parallel_loop3A_223, %parallel_loop3A_86] : memref<16x1024xf32, #tpu.memory_space<vmem>>[vector<16xi32>, vector<16xi32>], vector<16xf32>,
        %parallel_loop3A_225 = arith.constant 16 : i32
        %parallel_loop3A_226 = arith.muli %parallel_loop3A_82, %parallel_loop3A_225 : i32
        %parallel_loop3A_227 = arith.constant 15 : i32
        %parallel_loop3A_228 = arith.index_cast %parallel_loop3A_227 : i32 to index
        %parallel_loop3A_229 = arith.index_cast %parallel_loop3A_226 : i32 to index
        %parallel_loop3A_230 = tpu.vector_load %arg9[%parallel_loop3A_228, %parallel_loop3A_229] {strides = array<i32>} : memref<16x1024xf32, #tpu.memory_space<vmem>>, vector<16xf32>,
        tpu.vector_store %arg9[%parallel_loop3A_228, %parallel_loop3A_229], %parallel_loop3A_224 {strides = array<i32>} : memref<16x1024xf32, #tpu.memory_space<vmem>>, vector<16xf32>,
      } {sc.loop_unroll_factor = 1 : i64, sc.parallel_access}
      %add3A_73 = arith.constant 1 : i32
      %add3A_74 = arith.addi %mul3A_26, %add3A_73 : i32
      %mul3A_75 = arith.constant 16 : i32
      %mul3A_76 = arith.muli %add3A_74, %mul3A_75 : i32
      %add3A_77 = arith.addi %mul3A_2, %mul3A_76 : i32
      %dma_start3A_78 = arith.constant 0 : i32
      %dma_start3A_79 = tpu.memref_slice %arg4[%add3A_77, %dma_start3A_78] : memref<16384x1024xf32, #tpu.memory_space<hbm>> -> memref<16x1024xf32, #tpu.memory_space<hbm>>
      %dma_start3A_80 = arith.constant 0 : i32
      %dma_start3A_81 = tpu.memref_slice %arg4[%add3A_77, %dma_start3A_80] : memref<16384x1024xf32, #tpu.memory_space<hbm>> -> memref<16x1024xf32, #tpu.memory_space<hbm>>
      tpu.enqueue_dma source(%arg9 : memref<16x1024xf32, #tpu.memory_space<vmem>>) target(%dma_start3A_81 : memref<16x1024xf32, #tpu.memory_space<hbm>>) target_semaphore(%arg13 : memref<!tpu.dma_semaphore, #tpu.memory_space<semaphore_mem>>)
    }
    %scan3A_12 = arith.constant 16 : i32
    %dma_wait3A = arith.constant 0 : i32
    %dma_wait3A_13 = arith.constant 0 : i32
    %dma_wait3A_14 = tpu.memref_slice %arg2[%dma_wait3A, %dma_wait3A_13] : memref<16384x1024xf32, #tpu.memory_space<hbm>> -> memref<16x1024xf32, #tpu.memory_space<hbm>>
    %dma_wait3A_15 = arith.constant 0 : i32
    %dma_wait3A_16 = arith.constant 0 : i32
    %dma_wait3A_17 = tpu.memref_slice %arg2[%dma_wait3A_15, %dma_wait3A_16] : memref<16384x1024xf32, #tpu.memory_space<hbm>> -> memref<16x1024xf32, #tpu.memory_space<hbm>>
    tpu.wait_dma2 semaphore(%arg12 : memref<!tpu.dma_semaphore, #tpu.memory_space<semaphore_mem>>) src(%dma_wait3A_17 : memref<16x1024xf32, #tpu.memory_space<hbm>>) dst(%arg8 : memref<16x1024xf32, #tpu.memory_space<vmem>>)
    %dma_wait3A_18 = arith.constant 0 : i32
    %dma_wait3A_19 = arith.constant 0 : i32
    %dma_wait3A_20 = tpu.memref_slice %arg2[%dma_wait3A_18, %dma_wait3A_19] : memref<16384x1024xf32, #tpu.memory_space<hbm>> -> memref<16x1024xf32, #tpu.memory_space<hbm>>
    %dma_wait3A_21 = arith.constant 0 : i32
    %dma_wait3A_22 = arith.constant 0 : i32
    %dma_wait3A_23 = tpu.memref_slice %arg2[%dma_wait3A_21, %dma_wait3A_22] : memref<16384x1024xf32, #tpu.memory_space<hbm>> -> memref<16x1024xf32, #tpu.memory_space<hbm>>
    tpu.wait_dma2 semaphore(%arg13 : memref<!tpu.dma_semaphore, #tpu.memory_space<semaphore_mem>>) src(%dma_wait3A_23 : memref<16x1024xf32, #tpu.memory_space<hbm>>) dst(%arg9 : memref<16x1024xf32, #tpu.memory_space<vmem>>)
    return
  }
}

</mosaic_0001>

<sc_bundles>
// kernel: kernel.3.cloned.1.call-start
scs
__scs_entry_jumppad:
0x0: {  	(pc) =	sbr.rel $0x88, $3  }
0x1: {  	(tag) =	ssettag $0x0;
	lr =	simm.s32 $0x1  }
0x2: {  	[smem:$0x3F9F] =	sst lr;
	_ =	strace $0xD0000000  }
0x3: {  	_ = 	snop  }
0x4: {  	_ = 	snop  }
0x5: {  	_ = 	snop  }
0x6: {  	_ = 	snop  }
0x7: {  	_ = 	snop  }
__scs_overlays_trampoline_lowered:
0x8: {  	[smem:$0x3FAE] =	sst s0  }
0x9: {  	[smem:$0x3FAF] =	sst s1  }
0xa: {  	[smem:$0x3FB0] =	sst s2  }
0xb: {  	[smem:$0x3FB1] =	sst s3  }
0xc: {  	[smem:$0x3FB2] =	sst s4  }
0xd: {  	[smem:$0x3FB3] =	sst s5  }
0xe: {  	[smem:$0x3FB4] =	sst s6  }
0xf: {  	[smem:$0x3FB5] =	sst s7  }
0x10: {  	[smem:$0x3FB6] =	sst s8  }
0x11: {  	[smem:$0x3FB7] =	sst s9;
	s0 =	simm.s32 @!p0 $0x0  }
0x12: {  	s1 =	sld [smem:$0x3F9D];
	s0 =	simm.s32 @p0 $0x1  }
0x13: {  	[smem:$0x3FB8] =	sst s0;
	s0 =	simm.s32 @!p1 $0x0  }
0x14: {  	s2 =	sld [smem:$0x3F9C];
	s0 =	simm.s32 @p1 $0x1  }
0x15: {  	[smem:$0x3FB9] =	sst s0;
	s0 =	simm.s32 @!p2 $0x0  }
0x16: {  	s3 =	sld [smem:$0x3FDB];
	s0 =	simm.s32 @p2 $0x1  }
0x17: {  	s4 =	simm.s32 $0x1BF5;
	[smem:$0x3FBB] =	sst s0  }
0x18: {  	s0 =	sld [smem:$0x3F9E];
	_ =	swait.ge [sflag:s4], $0x0  }
0x19: {  	s7 =	sld [smem:$0x3F9F]  }
0x1a: {  	s8 =	sadd.s32 $0xFFFFE003, lr  }
0x1b: {  	s9 =	sadd.s32 $0xFFFFFEF7, lr;
	s5 =	simm.s32 $0xFFFFFFFF;
	p2 =	slt.u32 s8, $0xFFFFF086  }
0x1c: {  	p1 =	slt.u32 s9, $0xF7A;
	s5 =	simm.s32 @!p2 $0x0  }
0x1d: {  	s5 =	simm.s32 @p1 $0x1;
	p0 =	seq.s32 s7, s2  }
0x1e: {  	s7 =	smul.u32 @!p0 $0xF7A, s2;
	p2 =	seq.s32 @!p0 s5, $0x0  }
0x1f: {  	s9 =	smul.u32 $0xF7A, s1;
	s8 =	simm.s32 @!p0 $0x1BF5;
	p2 =	por !p2, p0  }
0x20: {  	[sflag:s8] =	ssyncset.s32 @!p0 $0xFFFFF086;
	s6 =	sadd.s32 @!p0 s3, s7;
	s7 =	simm.s32 @!p0 $0x108  }
0x21: {  	s3 =	sadd.s32 s3, s9;
	s6 =	sadd.s32 @!p0 $0x88, s6;
	s7 =	simm.s32 @p2 $0x1082  }
0x22: {  	[simem:s7], [sflag:s8] =	dma.local @!p0 [hbm:s6], $0xF7A  }
0x23: {  	s9 =	sor.u32 $0xD0000000, s2;
	s6 =	simm.s32 $0x108;
	_ =	swait.ge @!p0 [sflag:s8], $0x0  }
0x24: {  	s3 =	sadd.s32 $0x88, s3;
	s6 =	simm.s32 @!p1 $0x1082;
	[sflag:s4] =	ssyncset.s32 $0xFFFFF086  }
0x25: {  	[simem:s6], [sflag:s4] =	dma.local [hbm:s3], $0xF7A  }
0x26: {  	[smem:$0x3F9F] =	sst s1;
	(tag) =	ssettag s2;
	_ =	strace s9  }
0x27: {  	s1 =	sld [smem:$0x3FAF]  }
0x28: {  	s2 =	sld [smem:$0x3FB0]  }
0x29: {  	s4 =	sld [smem:$0x3FB2]  }
0x2a: {  	p0 =	seq.s32 s5, $0x0;
	s5 =	sld [smem:$0x3FB3]  }
0x2b: {  	s6 =	sld [smem:$0x3FB4]  }
0x2c: {  	s7 =	sld [smem:$0x3FB5]  }
0x2d: {  	s3 =	simm.s32 $0x108;
	s8 =	sld [smem:$0x3FB6]  }
0x2e: {  	s3 =	simm.s32 @!p0 $0x1082;
	s9 =	sld [smem:$0x3FB7]  }
0x2f: {  	lr =	sadd.s32 s0, s3;
	s0 =	sld [smem:$0x3FAE]  }
0x30: {  	s3 =	sld [smem:$0x3FB1]  }
0x31: {  	[smem:$0x3FBA] =	sst s10  }
0x32: {  	s10 =	sld [smem:$0x3FB8];
	_ =	sdelay $0x3  }
0x33: {  	p0 =	seq.s32 s10, $0x1;
	s10 =	sld [smem:$0x3FBA];
	_ =	sdelay $0x3  }
0x34: {  	[smem:$0x3FBA] =	sst s10  }
0x35: {  	s10 =	sld [smem:$0x3FB9];
	_ =	sdelay $0x3  }
0x36: {  	p1 =	seq.s32 s10, $0x1;
	s10 =	sld [smem:$0x3FBA];
	_ =	sdelay $0x3  }
0x37: {  	[smem:$0x3FBA] =	sst s10  }
0x38: {  	s10 =	sld [smem:$0x3FBB]  }
0x39: {  	_ = 	snop;
	(pc) =	sbr.ind lr, $3  }
0x3a: {  	_ = 	snop  }
0x3b: {  	_ = 	snop  }
0x3c: {  	p2 =	seq.s32 s10, $0x1;
	s10 =	sld [smem:$0x3FBA]  }
0x3d: {  	_ =	shalt  }
0x3e: {  	_ =	shalt  }
0x3f: {  	_ =	shalt  }
0x40: {  	_ =	shalt  }
0x41: {  	_ =	shalt  }
0x42: {  	_ =	shalt  }
0x43: {  	_ =	shalt  }
0x44: {  	_ =	shalt  }
0x45: {  	_ =	shalt  }
0x46: {  	_ =	shalt  }
0x47: {  	_ =	shalt  }
0x48: {  	_ =	shalt  }
0x49: {  	_ =	shalt  }
0x4a: {  	_ =	shalt  }
0x4b: {  	_ =	shalt  }
0x4c: {  	_ =	shalt  }
0x4d: {  	_ =	shalt  }
0x4e: {  	_ =	shalt  }
0x4f: {  	_ =	shalt  }
0x50: {  	_ =	shalt  }
0x51: {  	_ =	shalt  }
0x52: {  	_ =	shalt  }
0x53: {  	_ =	shalt  }
0x54: {  	_ =	shalt  }
0x55: {  	_ =	shalt  }
0x56: {  	_ =	shalt  }
0x57: {  	_ =	shalt  }
0x58: {  	_ =	shalt  }
0x59: {  	_ =	shalt  }
0x5a: {  	_ =	shalt  }
0x5b: {  	_ =	shalt  }
0x5c: {  	_ =	shalt  }
0x5d: {  	_ =	shalt  }
0x5e: {  	_ =	shalt  }
0x5f: {  	_ =	shalt  }
0x60: {  	_ =	shalt  }
0x61: {  	_ =	shalt  }
0x62: {  	_ =	shalt  }
0x63: {  	_ =	shalt  }
0x64: {  	_ =	shalt  }
0x65: {  	_ =	shalt  }
0x66: {  	_ =	shalt  }
0x67: {  	_ =	shalt  }
0x68: {  	_ =	shalt  }
0x69: {  	_ =	shalt  }
0x6a: {  	_ =	shalt  }
0x6b: {  	_ =	shalt  }
0x6c: {  	_ =	shalt  }
0x6d: {  	_ =	shalt  }
0x6e: {  	_ =	shalt  }
0x6f: {  	_ =	shalt  }
0x70: {  	_ =	shalt  }
0x71: {  	_ =	shalt  }
0x72: {  	_ =	shalt  }
0x73: {  	_ =	shalt  }
0x74: {  	_ =	shalt  }
0x75: {  	_ =	shalt  }
0x76: {  	_ =	shalt  }
0x77: {  	_ =	shalt  }
0x78: {  	_ =	shalt  }
0x79: {  	_ =	shalt  }
0x7a: {  	_ =	shalt  }
0x7b: {  	_ =	shalt  }
0x7c: {  	_ =	shalt  }
0x7d: {  	_ =	shalt  }
0x7e: {  	_ =	shalt  }
0x7f: {  	_ =	shalt  }
0x80: {  	_ =	shalt  }
0x81: {  	_ =	shalt  }
0x82: {  	_ =	shalt  }
0x83: {  	_ =	shalt  }
0x84: {  	_ =	shalt  }
0x85: {  	_ =	shalt  }
0x86: {  	_ =	shalt  }
0x87: {  	_ =	shalt  }
.Lfunc_end0:
.L_simem_size_0:
called_computation_lowered:
.L_overlay_start_0:
0x88: {  	s2 =	sld [smem:$0x3FD9]  }
0x89: {  	s3 =	sld [smem:$0x3FFE];
	_ =	sdelay $0x1  }
0x8a: {  	s1 =	srdreg.scid  }
0x8b: {  	s0 =	sand.u32 $0x1, s1  }
0x8c: {  	s18 =	sshll.u32 s0, $0xA;
	s2 =	sadd.s32 s3, s2  }
0x8d: {  	s2 =	sadd.s32 s2, s18  }
0x8e: {  	[smem:$0x3FC6] =	sst s2  }
0x8f: {  	_ = 	snop  }
0x90: {  	s2 =	sld [smem:$0x3FC9]  }
0x91: {  	s19 =	sld [smem:$0x3FC8]  }
0x92: {  	s4 =	sld [smem:$0x3FD0];
	(tm) =	ssettm $0x1  }
0x93: {  	s5 =	sld [smem:$0x3FFB];
	_ =	sdelay $0x3  }
0x94: {  	_ =	strace s5  }
0x95: {  	s5 =	sld [smem:$0x3FFC];
	_ =	sdelay $0x3  }
0x96: {  	_ =	strace s5  }
0x97: {  	s5 =	sld [smem:$0x3FFD];
	_ =	sdelay $0x3  }
0x98: {  	_ =	strace s5  }
0x99: {  	_ =	strace $0x8FFFFFFF  }
0x9a: {  	s20 =	sld [smem:$0x3FDB];
	_ =	sdelay $0x1  }
0x9b: {  	s6 =	simm.s32 $_scs_section_size  }
0x9c: {  	s7 =	simm.s32 $_size__tile_overlayer_lowered;
	s8 =	simm.s32 $_tile_overlayer_lowered  }
0x9d: {  	s23 =	simm.s32 $0x1BFF;
	s22 =	sshll.u32 s8, $0x1;
	s5 =	sadd.s32 s6, s20  }
0x9e: {  	s9 =	simm.s32 $0x0;
	s21 =	sshll.u32 s7, $0x1;
	s7 =	sadd.s32 s22, s5  }
0x9f: {  	[timem:s9], [sflag:s23] =	dma.local [hbm:s7], s21  }
0xa0: {  	_ =	swait.ge [sflag:s23], s21  }
0xa1: {  	s6 =	ssub.s32 $0x0, s21;
	[sflag:s23] =	ssyncset.done $0x0  }
0xa2: {  	[sflag:s23] =	ssyncadd.s32 s6;
	_ =	sdelay $0x1  }
0xa3: {  	s24 =	simm.s32 $0x1B8B  }
0xa4: {  	_ =	swait.ge [sflag:s24], $0x1  }
0xa5: {  	[sflag:s24] =	ssyncset.done $0x0  }
0xa6: {  	s25 =	simm.s32 $0x1B8E;
	[sflag:s24] =	ssyncadd.s32 $0xFFFFFFFF  }
0xa7: {  	s26 =	simm.s32 $execute0_lowered;
	[smem:$0x3FD2] =	sst s25  }
0xa8: {  	s6 =	sshll.u32 s26, $0x1;
	_ =	strace $0x80000046;
	[dreg:$0x1] =	wrdreg $0xFFFFFFFF  }
0xa9: {  	s28 =	simm.s32 $_size_execute0_lowered;
	s5 =	sadd.s32 s5, s6;
	[dreg:$0x0] =	wrdreg $0x0  }
0xaa: {  	s6 =	sshll.u32 s28, $0x1;
	[dreg:$0x2] =	wrdreg s5  }
0xab: {  	[dreg:$0x3] =	wrdreg s6  }
0xac: {  	[dreg:$0x4] =	wrdreg $0xC0  }
0xad: {  	_ =	task [dreg:s9], $0x5FFFF  }
0xae: {  	[dreg:$0x1] =	wrdreg $0xFFFFFFFF  }
0xaf: {  	[dreg:$0x0] =	wrdreg $0x60  }
0xb0: {  	[dreg:$0x2] =	wrdreg s2  }
0xb1: {  	[dreg:$0x3] =	wrdreg s19  }
0xb2: {  	[dreg:$0x4] =	wrdreg s4  }
0xb3: {  	[dreg:$0x5] =	wrdreg $0x9  }
0xb4: {  	_ =	task.clear_ibuf [dreg:s9], $0x6FFFF;
	_ =	strace $0x90000046  }
0xb5: {  	s29 =	simm.s32 $0x9;
	_ =	strace $0x80000048  }
0xb6: {  	_ =	swait.ge [sflag:s29], $0x1  }
0xb7: {  	[sflag:s29] =	ssyncadd.s32 $0xFFFFFFFF  }
0xb8: {  	_ =	strace $0x90000048  }
0xb9: {  	_ =	sfence  }
0xba: {  	s30 =	sld [smem:$0x0];
	_ =	sdelay $0x2  }
0xbb: {  	s31 =	sshll.u32 s1, $0xD;
	s1 =	sshrl.u32 s1, $0x2  }
0xbc: {  	s3 =	sand.u32 $0x4000, s31;
	s1 =	sadd.s32 s1, s30  }
0xbd: {  	s0 =	sor.u32 s3, s0;
	s1 =	sshll.u32 s1, $0x11  }
0xbe: {  	s0 =	sor.u32 s1, s0  }
0xbf: {  	s0 =	sadd.s32 $0x8F2B, s0  }
0xc0: {  	[sflag:s0] =	ssyncadd.remote.s32 $0x1  }
0xc1: {  	_ =	sfence.sel $0xFFFF  }
0xc2: {  	[dreg:$0x0] =	wrdreg $0xFFFFFFFF;
	(pc) =	sbr.abs _section_cstart, $3  }
0xc3: {  	[dreg:$0x1] =	wrdreg $0xFFFFFFFF  }
0xc4: {  	_ =	task.clear_ibuf [dreg:s9], $0x2FFFF;
	_ =	strace $0x9FFFFFFF  }
0xc5: {  	(tm) =	ssettm $0x7FFFFFFF  }
tec
execute0_lowered:
.L_overlay_start_1:
0x0: {  	(tag) =	ssettag $0x1  }
0x1: {  	s3 =	rddreg [dreg:$0x0]  }
0x2: {  	s4 =	rddreg [dreg:$0x2]  }
0x3: {  	s0 =	srdreg.scid;
	s1 =	stileid.u32;
	s5 =	simm.s32 $0x0  }
0x4: {  	s11 =	simm.s32 $0x400;
	s13 =	simm.s32 $0x4400;
	s14 =	simm.s32 $0x1  }
0x5: {  	s16 =	simm.s32 $0x2;
	s17 =	simm.s32 $0x4;
	s0 =	sand.u32 $0x1, s0  }
0x6: {  	s1 =	sshll.u32 s1, $0x11;
	[smem:$0x7FF] =	sst s5;
	s2 =	sshll.u32 s0, $0x10  }
0x7: {  	s18 =	smov.u32 s4;
	s0 =	ssub.s32 $0x2, s0;
	s1 =	sor.u32 s2, s1  }
0x8: {  	_ =	strace $0x80000047;
	s30 =	sshrl.u32 s0, $0x1;
	s3 =	sadd.s32 s3, s1  }
0x9: {  	s0 =	ssub.s32 s0, s30;
	[dreg:$0x4] =	wrdreg s3;
	s31 =	sadd.s32 $0x1000, s3  }
0xa: {  	s7 =	sadd.s32 s4, s1;
	s0 =	smax.u32 s0, $0x1;
	[dreg:$0x5] =	wrdreg s31  }
0xb: {  	s10 =	sor.u32 $0x800, s1;
	s1 =	simm.s32 $0x0;
	[dreg:$0x6] =	wrdreg s0  }
.LBB2_1:
0xc: {  	[dreg:$0x7] =	wrdreg s1  }
0xd: {  	s0 =	rddreg [dreg:$0x1]  }
0xe: {  	[tilespmem:s5], [sflag:$0x5] =	stream.linear.gather [hbm4b:s0+s5], $0x400, $0x38;
	[tilespmem:$0x10400] =	vst v63  }
0xf: {  	s30 =	rddreg [dreg:$0x4];
	s31 =	simm.s32 $0x5  }
0x10: {  	[tilespmem:s11], [sflag:$0x1] =	stream.linear.gather [hbm4b:s30+s5], $0x4000, $0x38;
	[tilespmem:$0x10400] =	vst v63  }
0x11: {  	_ =	swait.ge [sflag:s31], $0x400  }
0x12: {  	[sflag:s31] =	ssyncset.done $0x0  }
0x13: {  	s21 =	simm.s32 $0x0;
	[sflag:s31] =	ssyncadd.s32 $0xFFFFFC00  }
.LBB2_2:
0x14: {  	s23 =	sshll.u32 s21, $0xC  }
0x15: {  	s0 =	rddreg [dreg:$0x0];
	s22 =	sadd.s32 s10, s23  }
0x16: {  	s0 =	sadd.s32 s0, s22  }
0x17: {  	[tilespmem:s13], [sflag:$0x2] =	stream.linear.gather [hbm4b:s0+s5], $0x4000, $0x38;
	[tilespmem:$0x10400] =	vst v63  }
0x18: {  	_ =	swait.ge [sflag:s14], $0x4000  }
0x19: {  	p0 =	seq.s32 s21, $0x0;
	[sflag:s14] =	ssyncset.done $0x0  }
0x1a: {  	s0 =	simm.s32 @!p0 $0x3;
	[sflag:s14] =	ssyncadd.s32 $0xFFFFC000  }
0x1b: {  	_ =	swait.ge @!p0 [sflag:s0], $0x4000  }
0x1c: {  	[sflag:s0] =	ssyncset.done @!p0 $0x0  }
0x1d: {  	s26 =	simm.s32 $0x0;
	[sflag:s0] =	ssyncadd.s32 @!p0 $0xFFFFC000  }
0x1e: {  	v0 =	vld [tilespmem:s26+$0x0];
	_ =	sdelay $0x4  }
0x1f: {  	v1 =	vshll.u32 v0, $0x3  }
0x20: {  	v0 =	vand.u32 $0x7F, v0;
	v1 =	vand.u32 $0xFFFFFC00, v1  }
0x21: {  	v6 =	vor.u32 v0, v1;
	_ =	sdelay $0x4  }
0x22: {  	v0 =	vld.idx.msk [tilespmem:v6+s11+$0x0], $0xffff  }
0x23: {  	v1 =	vor.u32 $0x80, v6  }
0x24: {  	s2 =	simm.s32 $0x10  }
0x25: {  	s1 =	sand.u32 $0x70, s26;
	s3 =	sand.u32 $0x1C00, s26;
	v2 =	vld [tilespmem:s2+$0x0]  }
0x26: {  	s29 =	sor.u32 s1, s3  }
0x27: {  	[tilespmem:s29+$0x8400] =	vst v0  }
0x28: {  	v0 =	vld.idx.msk [tilespmem:v1+s11+$0x0], $0xffff  }
0x29: {  	v1 =	vor.u32 $0x100, v6  }
0x2a: {  	v3 =	vshll.u32 v2, $0x3  }
0x2b: {  	v2 =	vand.u32 $0x7F, v2;
	v3 =	vand.u32 $0xFFFFFC00, v3  }
0x2c: {  	v2 =	vor.u32 v2, v3  }
0x2d: {  	[tilespmem:s29+$0x8480] =	vst v0  }
0x2e: {  	v0 =	vld.idx.msk [tilespmem:v1+s11+$0x0], $0xffff  }
0x2f: {  	v1 =	vor.u32 $0x180, v6;
	_ =	sdelay $0x1  }
0x30: {  	v3 =	vld.idx.msk [tilespmem:v2+s11+$0x0], $0xffff  }
0x31: {  	s6 =	simm.s32 $0x20;
	v4 =	vor.u32 $0x80, v2  }
0x32: {  	s8 =	simm.s32 $0x80;
	v5 =	vld [tilespmem:s6+$0x0];
	[tilespmem:s29+$0x8500] =	vst v0  }
0x33: {  	s12 =	sand.u32 $0x70, s2;
	s4 =	sand.u32 $0x1C00, s8;
	v0 =	vld.idx.msk [tilespmem:v1+s11+$0x0], $0xffff  }
0x34: {  	s25 =	sor.u32 s12, s4;
	v1 =	vor.u32 $0x200, v6  }
0x35: {  	[tilespmem:s25+$0x8400] =	vst v3  }
0x36: {  	v3 =	vld.idx.msk [tilespmem:v4+s11+$0x0], $0xffff  }
0x37: {  	v7 =	vshll.u32 v5, $0x3;
	v4 =	vor.u32 $0x100, v2  }
0x38: {  	[tilespmem:s29+$0x8580] =	vst v0;
	v0 =	vand.u32 $0x7F, v5;
	v5 =	vand.u32 $0xFFFFFC00, v7  }
0x39: {  	v1 =	vld.idx.msk [tilespmem:v1+s11+$0x0], $0xffff;
	v0 =	vor.u32 v0, v5  }
0x3a: {  	v5 =	vor.u32 $0x280, v6  }
0x3b: {  	[tilespmem:s25+$0x8480] =	vst v3  }
0x3c: {  	v3 =	vld.idx.msk [tilespmem:v4+s11+$0x0], $0xffff  }
0x3d: {  	v4 =	vor.u32 $0x180, v2  }
0x3e: {  	v7 =	vld.idx.msk [tilespmem:v0+s11+$0x0], $0xffff;
	[tilespmem:s29+$0x8600] =	vst v1  }
0x3f: {  	v1 =	vld.idx.msk [tilespmem:v5+s11+$0x0], $0xffff;
	v5 =	vor.u32 $0x80, v0  }
0x40: {  	s9 =	simm.s32 $0x30;
	s12 =	simm.s32 $0x100;
	v8 =	vor.u32 $0x300, v6  }
0x41: {  	s15 =	sand.u32 $0x70, s6;
	s19 =	sand.u32 $0x1C00, s12;
	v9 =	vld [tilespmem:s9+$0x0];
	[tilespmem:s25+$0x8500] =	vst v3  }
0x42: {  	s24 =	sor.u32 s15, s19;
	v3 =	vld.idx.msk [tilespmem:v4+s11+$0x0], $0xffff  }
0x43: {  	v4 =	vor.u32 $0x200, v2;
	[tilespmem:s24+$0x8400] =	vst v7  }
0x44: {  	v5 =	vld.idx.msk [tilespmem:v5+s11+$0x0], $0xffff;
	[tilespmem:s29+$0x8680] =	vst v1  }
0x45: {  	v7 =	vld.idx.msk [tilespmem:v8+s11+$0x0], $0xffff;
	v8 =	vor.u32 $0x100, v0  }
0x46: {  	v10 =	vor.u32 $0x380, v6;
	v1 =	vshll.u32 v9, $0x3  }
0x47: {  	[tilespmem:s25+$0x8580] =	vst v3;
	v3 =	vand.u32 $0x7F, v9;
	v1 =	vand.u32 $0xFFFFFC00, v1  }
0x48: {  	v4 =	vld.idx.msk [tilespmem:v4+s11+$0x0], $0xffff;
	v1 =	vor.u32 v3, v1  }
0x49: {  	v3 =	vor.u32 $0x280, v2;
	[tilespmem:s24+$0x8480] =	vst v5  }
0x4a: {  	v5 =	vld.idx.msk [tilespmem:v8+s11+$0x0], $0xffff;
	[tilespmem:s29+$0x8700] =	vst v7  }
0x4b: {  	v8 =	vor.u32 $0x180, v0;
	v7 =	vld.idx.msk [tilespmem:v10+s11+$0x0], $0xffff  }
0x4c: {  	v9 =	vadd.s32 $0x2000, v6  }
0x4d: {  	[tilespmem:s25+$0x8600] =	vst v4;
	v10 =	vld.idx.msk [tilespmem:v1+s11+$0x0], $0xffff  }
0x4e: {  	s31 =	simm.s32 $0x40;
	s0 =	sor.u32 s26, s26;
	v4 =	vor.u32 $0x80, v1;
	v3 =	vld.idx.msk [tilespmem:v3+s11+$0x0], $0xffff  }
0x4f: {  	s19 =	simm.s32 $0x180;
	v11 =	vld [tilespmem:s31+$0x0];
	s0 =	sor.u32 $0x380, s0;
	[tilespmem:s24+$0x8500] =	vst v5;
	v5 =	vor.u32 $0x300, v2  }
0x50: {  	s20 =	sand.u32 $0x70, s9;
	s26 =	sand.u32 $0x1C00, s19;
	v8 =	vld.idx.msk [tilespmem:v8+s11+$0x0], $0xffff;
	[tilespmem:s0+$0x8400] =	vst v7  }
0x51: {  	s26 =	sor.u32 s20, s26;
	v7 =	vld.idx.msk [tilespmem:v9+s11+$0x0], $0xffff;
	v9 =	vor.u32 $0x200, v0  }
0x52: {  	[tilespmem:s26+$0x8400] =	vst v10;
	v10 =	vadd.s32 $0x2080, v6  }
0x53: {  	[tilespmem:s25+$0x8680] =	vst v3;
	v4 =	vld.idx.msk [tilespmem:v4+s11+$0x0], $0xffff  }
0x54: {  	v12 =	vor.u32 $0x100, v1;
	v3 =	vshll.u32 v11, $0x3;
	v5 =	vld.idx.msk [tilespmem:v5+s11+$0x0], $0xffff  }
0x55: {  	v11 =	vand.u32 $0x7F, v11;
	v3 =	vand.u32 $0xFFFFFC00, v3;
	[tilespmem:s24+$0x8580] =	vst v8;
	v8 =	vor.u32 $0x380, v2  }
0x56: {  	v3 =	vor.u32 v11, v3;
	v9 =	vld.idx.msk [tilespmem:v9+s11+$0x0], $0xffff;
	[tilespmem:s29+$0xA400] =	vst v7  }
0x57: {  	v7 =	vld.idx.msk [tilespmem:v10+s11+$0x0], $0xffff;
	v10 =	vor.u32 $0x280, v0  }
0x58: {  	[tilespmem:s26+$0x8480] =	vst v4;
	v4 =	vadd.s32 $0x2100, v6  }
0x59: {  	v11 =	vld.idx.msk [tilespmem:v12+s11+$0x0], $0xffff;
	[tilespmem:s25+$0x8700] =	vst v5  }
0x5a: {  	v5 =	vld.idx.msk [tilespmem:v8+s11+$0x0], $0xffff;
	v8 =	vor.u32 $0x180, v1  }
0x5b: {  	v12 =	vld.idx.msk [tilespmem:v3+s11+$0x0], $0xffff;
	[tilespmem:s24+$0x8600] =	vst v9;
	v9 =	vadd.s32 $0x2000, v2  }
0x5c: {  	v10 =	vld.idx.msk [tilespmem:v10+s11+$0x0], $0xffff;
	[tilespmem:s29+$0xA480] =	vst v7;
	v7 =	vor.u32 $0x80, v3  }
0x5d: {  	s1 =	sor.u32 s8, s2;
	s2 =	simm.s32 $0x200;
	v13 =	vor.u32 $0x300, v0;
	s0 =	simm.s32 $0x50;
	v4 =	vld.idx.msk [tilespmem:v4+s11+$0x0], $0xffff  }
0x5e: {  	s4 =	sand.u32 $0x70, s31;
	s1 =	sor.u32 $0x380, s1;
	s8 =	sand.u32 $0x1C00, s2;
	v14 =	vld [tilespmem:s0+$0x0];
	[tilespmem:s26+$0x8500] =	vst v11;
	v11 =	vadd.s32 $0x2180, v6  }
0x5f: {  	s28 =	sor.u32 s4, s8;
	v8 =	vld.idx.msk [tilespmem:v8+s11+$0x0], $0xffff;
	[tilespmem:s1+$0x8400] =	vst v5  }
0x60: {  	[tilespmem:s28+$0x8400] =	vst v12;
	v5 =	vld.idx.msk [tilespmem:v9+s11+$0x0], $0xffff;
	v9 =	vor.u32 $0x200, v1  }
0x61: {  	v7 =	vld.idx.msk [tilespmem:v7+s11+$0x0], $0xffff;
	[tilespmem:s24+$0x8680] =	vst v10;
	v10 =	vadd.s32 $0x2080, v2  }
0x62: {  	v12 =	vld.idx.msk [tilespmem:v13+s11+$0x0], $0xffff;
	[tilespmem:s29+$0xA500] =	vst v4;
	v13 =	vor.u32 $0x100, v3  }
0x63: {  	s3 =	simm.s32 $0x60;
	v15 =	vor.u32 $0x380, v0;
	v4 =	vshll.u32 v14, $0x3;
	v11 =	vld.idx.msk [tilespmem:v11+s11+$0x0], $0xffff  }
0x64: {  	v16 =	vld [tilespmem:s3+$0x0];
	v4 =	vand.u32 $0xFFFFFC00, v4;
	[tilespmem:s26+$0x8580] =	vst v8;
	v8 =	vand.u32 $0x7F, v14;
	v14 =	vadd.s32 $0x2200, v6  }
0x65: {  	v9 =	vld.idx.msk [tilespmem:v9+s11+$0x0], $0xffff;
	[tilespmem:s25+$0xA400] =	vst v5;
	v4 =	vor.u32 v8, v4  }
0x66: {  	v5 =	vld.idx.msk [tilespmem:v10+s11+$0x0], $0xffff;
	[tilespmem:s28+$0x8480] =	vst v7;
	v7 =	vor.u32 $0x280, v1  }
0x67: {  	v10 =	vadd.s32 $0x2100, v2;
	v8 =	vld.idx.msk [tilespmem:v13+s11+$0x0], $0xffff;
	[tilespmem:s24+$0x8700] =	vst v12  }
0x68: {  	v12 =	vld.idx.msk [tilespmem:v15+s11+$0x0], $0xffff;
	[tilespmem:s29+$0xA580] =	vst v11;
	v11 =	vor.u32 $0x180, v3  }
0x69: {  	v13 =	vld.idx.msk [tilespmem:v14+s11+$0x0], $0xffff;
	v14 =	vadd.s32 $0x2000, v0  }
0x6a: {  	v15 =	vld.idx.msk [tilespmem:v4+s11+$0x0], $0xffff;
	[tilespmem:s26+$0x8600] =	vst v9;
	v9 =	vadd.s32 $0x2280, v6  }
0x6b: {  	s12 =	sor.u32 s12, s6;
	v7 =	vld.idx.msk [tilespmem:v7+s11+$0x0], $0xffff;
	[tilespmem:s25+$0xA480] =	vst v5  }
0x6c: {  	s6 =	simm.s32 $0x280;
	s1 =	sor.u32 $0x380, s12;
	v5 =	vor.u32 $0x80, v4;
	v10 =	vld.idx.msk [tilespmem:v10+s11+$0x0], $0xffff;
	[tilespmem:s28+$0x8500] =	vst v8  }
0x6d: {  	s20 =	sand.u32 $0x1C00, s6;
	s15 =	sand.u32 $0x70, s0;
	v8 =	vor.u32 $0x300, v1;
	v11 =	vld.idx.msk [tilespmem:v11+s11+$0x0], $0xffff;
	[tilespmem:s1+$0x8400] =	vst v12  }
0x6e: {  	s30 =	sor.u32 s15, s20;
	v12 =	vadd.s32 $0x2180, v2;
	v14 =	vld.idx.msk [tilespmem:v14+s11+$0x0], $0xffff;
	[tilespmem:s29+$0xA600] =	vst v13  }
0x6f: {  	s12 =	simm.s32 $0x70;
	v13 =	vor.u32 $0x200, v3;
	[tilespmem:s30+$0x8400] =	vst v15;
	v15 =	vld.idx.msk [tilespmem:v9+s11+$0x0], $0xffff  }
0x70: {  	v9 =	vld [tilespmem:s12+$0x0];
	[tilespmem:s26+$0x8680] =	vst v7;
	v7 =	vadd.s32 $0x2080, v0  }
0x71: {  	v17 =	vld.idx.msk [tilespmem:v5+s11+$0x0], $0xffff;
	[tilespmem:s25+$0xA500] =	vst v10;
	v10 =	vadd.s32 $0x2300, v6  }
0x72: {  	v18 =	vor.u32 $0x100, v4;
	v5 =	vshll.u32 v16, $0x3;
	v8 =	vld.idx.msk [tilespmem:v8+s11+$0x0], $0xffff  }
0x73: {  	v16 =	vand.u32 $0x7F, v16;
	v5 =	vand.u32 $0xFFFFFC00, v5;
	v12 =	vld.idx.msk [tilespmem:v12+s11+$0x0], $0xffff;
	[tilespmem:s28+$0x8580] =	vst v11;
	v11 =	vor.u32 $0x380, v1  }
0x74: {  	v5 =	vor.u32 v16, v5;
	v13 =	vld.idx.msk [tilespmem:v13+s11+$0x0], $0xffff;
	[tilespmem:s24+$0xA400] =	vst v14  }
0x75: {  	v14 =	vadd.s32 $0x2200, v2;
	[tilespmem:s29+$0xA680] =	vst v15;
	v7 =	vld.idx.msk [tilespmem:v7+s11+$0x0], $0xffff  }
0x76: {  	v15 =	vor.u32 $0x280, v3;
	[tilespmem:s30+$0x8480] =	vst v17;
	v17 =	vld.idx.msk [tilespmem:v10+s11+$0x0], $0xffff  }
0x77: {  	v18 =	vld.idx.msk [tilespmem:v18+s11+$0x0], $0xffff;
	[tilespmem:s26+$0x8700] =	vst v8;
	v8 =	vadd.s32 $0x2100, v0  }
0x78: {  	v6 =	vadd.s32 $0x2380, v6;
	v19 =	vld.idx.msk [tilespmem:v11+s11+$0x0], $0xffff  }
0x79: {  	v20 =	vor.u32 $0x180, v4;
	[tilespmem:s25+$0xA580] =	vst v12;
	v16 =	vld.idx.msk [tilespmem:v5+s11+$0x0], $0xffff  }
0x7a: {  	v22 =	vadd.s32 $0x2000, v1;
	v21 =	vld.idx.msk [tilespmem:v14+s11+$0x0], $0xffff;
	[tilespmem:s28+$0x8600] =	vst v13  }
0x7b: {  	v11 =	vadd.s32 $0x2280, v2;
	v13 =	vld.idx.msk [tilespmem:v15+s11+$0x0], $0xffff;
	[tilespmem:s24+$0xA480] =	vst v7  }
0x7c: {  	s8 =	sor.u32 s19, s9;
	v10 =	vld.idx.msk [tilespmem:v8+s11+$0x0], $0xffff;
	[tilespmem:s29+$0xA700] =	vst v17;
	v17 =	vor.u32 $0x80, v5  }
0x7d: {  	s20 =	simm.s32 $0x300;
	s1 =	sor.u32 $0x380, s8;
	v14 =	vor.u32 $0x300, v3;
	[tilespmem:s30+$0x8500] =	vst v18;
	v12 =	vld.idx.msk [tilespmem:v6+s11+$0x0], $0xffff  }
0x7e: {  	s9 =	sand.u32 $0x70, s3;
	s15 =	sand.u32 $0x1C00, s20;
	v8 =	vadd.s32 $0x2180, v0;
	v15 =	vld.idx.msk [tilespmem:v20+s11+$0x0], $0xffff;
	[tilespmem:s1+$0x8400] =	vst v19  }
0x7f: {  	s19 =	simm.s32 $0x80;
	s9 =	sor.u32 s9, s15;
	s1 =	simm.s32 $0x70;
	v7 =	vld.idx.msk [tilespmem:v22+s11+$0x0], $0xffff;
	[tilespmem:s25+$0xA600] =	vst v21  }
.LBB2_3:
0x80: {  	p1 =	sne.s32 s19, $0x3F0;
	[tilespmem:s9+$0x8400] =	vst v16;
	v6 =	vor.u32 $0x200, v4;
	v11 =	vld.idx.msk [tilespmem:v11+s11+$0x0], $0xffff;
	s4 =	smov.u32 s12;
	s12 =	smov.u32 s19  }
0x81: {  	v16 =	vld.idx.msk [tilespmem:v17+s11+$0x0], $0xffff;
	[tilespmem:s28+$0x8680] =	vst v13;
	v13 =	vadd.s32 $0x2080, v1  }
0x82: {  	v14 =	vld.idx.msk [tilespmem:v14+s11+$0x0], $0xffff;
	[tilespmem:s24+$0xA500] =	vst v10;
	v10 =	vadd.s32 $0x2300, v2  }
0x83: {  	s1 =	sadd.s32 $0x10, s1;
	v17 =	vor.u32 $0x100, v5;
	v8 =	vld.idx.msk [tilespmem:v8+s11+$0x0], $0xffff;
	[tilespmem:s29+$0xA780] =	vst v12;
	s29 =	smov.u32 s25;
	s25 =	smov.u32 s24  }
0x84: {  	v18 =	vshll.u32 v9, $0x3;
	s24 =	smov.u32 s26;
	s26 =	smov.u32 s28;
	s28 =	smov.u32 s30;
	v12 =	vld [tilespmem:s1+$0x0];
	[tilespmem:s30+$0x8580] =	vst v15;
	v15 =	vor.u32 $0x380, v3  }
0x85: {  	v9 =	vand.u32 $0x7F, v9;
	v18 =	vand.u32 $0xFFFFFC00, v18;
	s30 =	smov.u32 s9;
	v6 =	vld.idx.msk [tilespmem:v6+s11+$0x0], $0xffff;
	[tilespmem:s24+$0xA400] =	vst v7;
	v7 =	vadd.s32 $0x2200, v0  }
0x86: {  	v18 =	vor.u32 v9, v18;
	v19 =	vld.idx.msk [tilespmem:v13+s11+$0x0], $0xffff;
	[tilespmem:s29+$0xA680] =	vst v11  }
0x87: {  	v11 =	vor.u32 $0x280, v4;
	[tilespmem:s30+$0x8480] =	vst v16;
	v20 =	vld.idx.msk [tilespmem:v10+s11+$0x0], $0xffff  }
0x88: {  	v10 =	vadd.s32 $0x2100, v1;
	v21 =	vld.idx.msk [tilespmem:v17+s11+$0x0], $0xffff;
	[tilespmem:s26+$0x8700] =	vst v14  }
0x89: {  	v22 =	vld.idx.msk [tilespmem:v15+s11+$0x0], $0xffff;
	[tilespmem:s25+$0xA580] =	vst v8;
	v8 =	vadd.s32 $0x2380, v2;
	v9 =	vmovc v12;
	v2 =	vmovc v0;
	v0 =	vmov v1;
	v1 =	vmov v3  }
0x8a: {  	v15 =	vor.u32 $0x180, v5;
	v3 =	vmovc v4;
	v4 =	vmov v5;
	v5 =	vmov v18;
	v23 =	vld.idx.msk [tilespmem:v7+s11+$0x0], $0xffff  }
0x8b: {  	v16 =	vld.idx.msk [tilespmem:v18+s11+$0x0], $0xffff;
	[tilespmem:s28+$0x8600] =	vst v6;
	v6 =	vadd.s32 $0x2000, v1  }
.Ltmp0:
0x8c: {  	v13 =	vld.idx.msk [tilespmem:v11+s11+$0x0], $0xffff;
	[tilespmem:s24+$0xA480] =	vst v19;
	v11 =	vadd.s32 $0x2280, v2;
	(pc) =	sbr.rel @p1 .LBB2_3-.Ltmp0, $4  }
0x8d: {  	s9 =	sor.u32 s2, s31;
	s2 =	smov.u32 s6;
	s6 =	smov.u32 s20;
	v17 =	vor.u32 $0x80, v5;
	v10 =	vld.idx.msk [tilespmem:v10+s11+$0x0], $0xffff;
	[tilespmem:s29+$0xA700] =	vst v20  }
0x8e: {  	s20 =	sadd.s32 $0x80, s20;
	s31 =	smov.u32 s0;
	s9 =	sor.u32 $0x380, s9;
	v14 =	vor.u32 $0x300, v3;
	[tilespmem:s30+$0x8500] =	vst v21;
	v12 =	vld.idx.msk [tilespmem:v8+s11+$0x0], $0xffff  }
0x8f: {  	s8 =	sand.u32 $0x70, s4;
	s0 =	smov.u32 s3;
	s15 =	sand.u32 $0x1C00, s20;
	v8 =	vadd.s32 $0x2180, v0;
	v15 =	vld.idx.msk [tilespmem:v15+s11+$0x0], $0xffff;
	[tilespmem:s9+$0x8400] =	vst v22  }
0x90: {  	s19 =	sadd.s32 $0x10, s19;
	s3 =	smov.u32 s4;
	s9 =	sor.u32 s8, s15;
	v7 =	vld.idx.msk [tilespmem:v6+s11+$0x0], $0xffff;
	[tilespmem:s25+$0xA600] =	vst v23  }
0x91: {  	v6 =	vshll.u32 v9, $0x3  }
0x92: {  	v34 =	vand.u32 $0x7F, v9;
	v6 =	vand.u32 $0xFFFFFC00, v6  }
0x93: {  	v6 =	vor.u32 v34, v6;
	_ =	sdelay $0x4  }
0x94: {  	v9 =	vld.idx.msk [tilespmem:v6+s11+$0x0], $0xffff  }
0x95: {  	v18 =	vor.u32 $0x80, v6  }
0x96: {  	s1 =	sadd.s32 $0x80, s20  }
0x97: {  	s4 =	sand.u32 $0x70, s12;
	s8 =	sand.u32 $0x1C00, s1  }
0x98: {  	[tilespmem:s9+$0x8400] =	vst v16;
	s19 =	sor.u32 s4, s8  }
0x99: {  	v16 =	vld.idx.msk [tilespmem:v17+s11+$0x0], $0xffff;
	[tilespmem:s19+$0x8400] =	vst v9  }
0x9a: {  	v35 =	vor.u32 $0x100, v5;
	v36 =	vld.idx.msk [tilespmem:v18+s11+$0x0], $0xffff  }
0x9b: {  	v37 =	vor.u32 $0x100, v6;
	_ =	sdelay $0x2  }
0x9c: {  	[tilespmem:s9+$0x8480] =	vst v16  }
0x9d: {  	v9 =	vld.idx.msk [tilespmem:v35+s11+$0x0], $0xffff;
	[tilespmem:s19+$0x8480] =	vst v36  }
0x9e: {  	v38 =	vor.u32 $0x180, v5;
	v17 =	vld.idx.msk [tilespmem:v37+s11+$0x0], $0xffff  }
0x9f: {  	v39 =	vor.u32 $0x180, v6;
	_ =	sdelay $0x2  }
0xa0: {  	[tilespmem:s9+$0x8500] =	vst v9  }
0xa1: {  	v40 =	vor.u32 $0x200, v4;
	v16 =	vld.idx.msk [tilespmem:v38+s11+$0x0], $0xffff;
	[tilespmem:s19+$0x8500] =	vst v17  }
0xa2: {  	v41 =	vor.u32 $0x200, v5;
	v18 =	vld.idx.msk [tilespmem:v39+s11+$0x0], $0xffff  }
0xa3: {  	v19 =	vor.u32 $0x200, v6;
	_ =	sdelay $0x1  }
0xa4: {  	[tilespmem:s30+$0x8580] =	vst v15  }
0xa5: {  	v9 =	vld.idx.msk [tilespmem:v40+s11+$0x0], $0xffff;
	[tilespmem:s9+$0x8580] =	vst v16  }
0xa6: {  	v42 =	vor.u32 $0x280, v4;
	v16 =	vld.idx.msk [tilespmem:v41+s11+$0x0], $0xffff;
	[tilespmem:s19+$0x8580] =	vst v18  }
0xa7: {  	v43 =	vor.u32 $0x280, v5;
	v18 =	vld.idx.msk [tilespmem:v19+s11+$0x0], $0xffff  }
0xa8: {  	v44 =	vor.u32 $0x280, v6;
	_ =	sdelay $0x1  }
0xa9: {  	[tilespmem:s30+$0x8600] =	vst v9  }
0xaa: {  	v9 =	vld.idx.msk [tilespmem:v42+s11+$0x0], $0xffff;
	[tilespmem:s9+$0x8600] =	vst v16  }
0xab: {  	v45 =	vor.u32 $0x300, v4;
	v16 =	vld.idx.msk [tilespmem:v43+s11+$0x0], $0xffff;
	[tilespmem:s19+$0x8600] =	vst v18  }
0xac: {  	v46 =	vor.u32 $0x300, v5;
	v18 =	vld.idx.msk [tilespmem:v44+s11+$0x0], $0xffff  }
0xad: {  	v47 =	vor.u32 $0x300, v6  }
0xae: {  	[tilespmem:s28+$0x8680] =	vst v13  }
0xaf: {  	v13 =	vld.idx.msk [tilespmem:v14+s11+$0x0], $0xffff;
	[tilespmem:s30+$0x8680] =	vst v9  }
0xb0: {  	v48 =	vor.u32 $0x380, v3;
	v49 =	vld.idx.msk [tilespmem:v45+s11+$0x0], $0xffff;
	[tilespmem:s9+$0x8680] =	vst v16  }
0xb1: {  	v50 =	vor.u32 $0x380, v4;
	v16 =	vld.idx.msk [tilespmem:v46+s11+$0x0], $0xffff;
	[tilespmem:s19+$0x8680] =	vst v18  }
0xb2: {  	v51 =	vor.u32 $0x380, v5;
	v18 =	vld.idx.msk [tilespmem:v47+s11+$0x0], $0xffff  }
0xb3: {  	v52 =	vor.u32 $0x380, v6  }
0xb4: {  	[tilespmem:s28+$0x8700] =	vst v13  }
0xb5: {  	v9 =	vld.idx.msk [tilespmem:v48+s11+$0x0], $0xffff;
	[tilespmem:s30+$0x8700] =	vst v49  }
0xb6: {  	v53 =	vadd.s32 $0x2000, v3;
	v14 =	vld.idx.msk [tilespmem:v50+s11+$0x0], $0xffff;
	[tilespmem:s9+$0x8700] =	vst v16  }
0xb7: {  	v54 =	vadd.s32 $0x2000, v4;
	v16 =	vld.idx.msk [tilespmem:v51+s11+$0x0], $0xffff;
	[tilespmem:s19+$0x8700] =	vst v18  }
0xb8: {  	s2 =	sor.u32 s2, s31;
	v55 =	vadd.s32 $0x2000, v5;
	[tilespmem:s24+$0xA500] =	vst v10;
	v56 =	vld.idx.msk [tilespmem:v52+s11+$0x0], $0xffff  }
0xb9: {  	s0 =	sor.u32 s6, s0;
	s2 =	sor.u32 $0x380, s2;
	[tilespmem:s29+$0xA780] =	vst v12;
	v57 =	vadd.s32 $0x2000, v6  }
0xba: {  	v11 =	vld.idx.msk [tilespmem:v11+s11+$0x0], $0xffff;
	s15 =	sor.u32 s20, s3;
	s0 =	sor.u32 $0x380, s0;
	[tilespmem:s2+$0x8400] =	vst v9  }
0xbb: {  	v58 =	vadd.s32 $0x2080, v1;
	s20 =	sor.u32 $0x380, s15;
	s1 =	sor.u32 s1, s12;
	v13 =	vld.idx.msk [tilespmem:v53+s11+$0x0], $0xffff;
	[tilespmem:s0+$0x8400] =	vst v14  }
0xbc: {  	v59 =	vadd.s32 $0x2080, v3;
	s29 =	sor.u32 $0x380, s1;
	v15 =	vld.idx.msk [tilespmem:v54+s11+$0x0], $0xffff;
	[tilespmem:s20+$0x8400] =	vst v16  }
0xbd: {  	v60 =	vadd.s32 $0x2080, v4;
	v10 =	vld.idx.msk [tilespmem:v55+s11+$0x0], $0xffff;
	[tilespmem:s29+$0x8400] =	vst v56  }
0xbe: {  	v61 =	vadd.s32 $0x2080, v5;
	[tilespmem:s26+$0xA400] =	vst v7;
	v12 =	vld.idx.msk [tilespmem:v57+s11+$0x0], $0xffff  }
0xbf: {  	v8 =	vld.idx.msk [tilespmem:v8+s11+$0x0], $0xffff;
	v62 =	vadd.s32 $0x2080, v6;
	[tilespmem:s25+$0xA680] =	vst v11  }
0xc0: {  	v63 =	vadd.s32 $0x2300, v2;
	v9 =	vld.idx.msk [tilespmem:v58+s11+$0x0], $0xffff;
	[tilespmem:s28+$0xA400] =	vst v13  }
0xc1: {  	v20 =	vadd.s32 $0x2100, v1;
	v14 =	vld.idx.msk [tilespmem:v59+s11+$0x0], $0xffff;
	[tilespmem:s30+$0xA400] =	vst v15  }
0xc2: {  	v21 =	vadd.s32 $0x2100, v3;
	v16 =	vld.idx.msk [tilespmem:v60+s11+$0x0], $0xffff;
	[tilespmem:s9+$0xA400] =	vst v10  }
0xc3: {  	v22 =	vadd.s32 $0x2100, v4;
	v7 =	vld.idx.msk [tilespmem:v61+s11+$0x0], $0xffff;
	[tilespmem:s19+$0xA400] =	vst v12  }
0xc4: {  	v23 =	vadd.s32 $0x2100, v5;
	[tilespmem:s24+$0xA580] =	vst v8;
	v11 =	vld.idx.msk [tilespmem:v62+s11+$0x0], $0xffff  }
0xc5: {  	v25 =	vadd.s32 $0x2100, v6;
	v24 =	vld.idx.msk [tilespmem:v63+s11+$0x0], $0xffff;
	[tilespmem:s26+$0xA480] =	vst v9  }
0xc6: {  	v26 =	vadd.s32 $0x2200, v0;
	v13 =	vld.idx.msk [tilespmem:v20+s11+$0x0], $0xffff;
	[tilespmem:s28+$0xA480] =	vst v14  }
0xc7: {  	v27 =	vadd.s32 $0x2180, v1;
	v15 =	vld.idx.msk [tilespmem:v21+s11+$0x0], $0xffff;
	[tilespmem:s30+$0xA480] =	vst v16  }
0xc8: {  	v28 =	vadd.s32 $0x2180, v3;
	v10 =	vld.idx.msk [tilespmem:v22+s11+$0x0], $0xffff;
	[tilespmem:s9+$0xA480] =	vst v7  }
0xc9: {  	v29 =	vadd.s32 $0x2180, v4;
	v8 =	vld.idx.msk [tilespmem:v23+s11+$0x0], $0xffff;
	[tilespmem:s19+$0xA480] =	vst v11  }
0xca: {  	v30 =	vadd.s32 $0x2180, v5;
	[tilespmem:s25+$0xA700] =	vst v24;
	v9 =	vld.idx.msk [tilespmem:v25+s11+$0x0], $0xffff  }
0xcb: {  	v32 =	vadd.s32 $0x2180, v6;
	v31 =	vld.idx.msk [tilespmem:v26+s11+$0x0], $0xffff;
	[tilespmem:s26+$0xA500] =	vst v13  }
0xcc: {  	v33 =	vadd.s32 $0x2380, v2;
	v14 =	vld.idx.msk [tilespmem:v27+s11+$0x0], $0xffff;
	[tilespmem:s28+$0xA500] =	vst v15  }
0xcd: {  	v34 =	vadd.s32 $0x2200, v1;
	v16 =	vld.idx.msk [tilespmem:v28+s11+$0x0], $0xffff;
	[tilespmem:s30+$0xA500] =	vst v10  }
0xce: {  	v35 =	vadd.s32 $0x2200, v3;
	v7 =	vld.idx.msk [tilespmem:v29+s11+$0x0], $0xffff;
	[tilespmem:s9+$0xA500] =	vst v8  }
0xcf: {  	v36 =	vadd.s32 $0x2200, v4;
	v11 =	vld.idx.msk [tilespmem:v30+s11+$0x0], $0xffff;
	[tilespmem:s19+$0xA500] =	vst v9  }
0xd0: {  	[tilespmem:s24+$0xA600] =	vst v31;
	v37 =	vadd.s32 $0x2200, v5;
	v38 =	vld.idx.msk [tilespmem:v32+s11+$0x0], $0xffff  }
0xd1: {  	v2 =	vld.idx.msk [tilespmem:v33+s11+$0x0], $0xffff;
	v39 =	vadd.s32 $0x2200, v6;
	[tilespmem:s26+$0xA580] =	vst v14  }
0xd2: {  	v40 =	vadd.s32 $0x2280, v0;
	v15 =	vld.idx.msk [tilespmem:v34+s11+$0x0], $0xffff;
	[tilespmem:s28+$0xA580] =	vst v16  }
0xd3: {  	v41 =	vadd.s32 $0x2280, v1;
	v10 =	vld.idx.msk [tilespmem:v35+s11+$0x0], $0xffff;
	[tilespmem:s30+$0xA580] =	vst v7  }
0xd4: {  	v42 =	vadd.s32 $0x2280, v3;
	v8 =	vld.idx.msk [tilespmem:v36+s11+$0x0], $0xffff;
	[tilespmem:s9+$0xA580] =	vst v11  }
0xd5: {  	v43 =	vadd.s32 $0x2280, v4;
	v9 =	vld.idx.msk [tilespmem:v37+s11+$0x0], $0xffff;
	[tilespmem:s19+$0xA580] =	vst v38  }
0xd6: {  	[tilespmem:s25+$0xA780] =	vst v2;
	v44 =	vadd.s32 $0x2280, v5;
	v12 =	vld.idx.msk [tilespmem:v39+s11+$0x0], $0xffff  }
0xd7: {  	v45 =	vld.idx.msk [tilespmem:v40+s11+$0x0], $0xffff;
	v46 =	vadd.s32 $0x2280, v6;
	[tilespmem:s26+$0xA600] =	vst v15  }
0xd8: {  	v47 =	vadd.s32 $0x2300, v0;
	v16 =	vld.idx.msk [tilespmem:v41+s11+$0x0], $0xffff;
	[tilespmem:s28+$0xA600] =	vst v10  }
0xd9: {  	v48 =	vadd.s32 $0x2300, v1;
	v7 =	vld.idx.msk [tilespmem:v42+s11+$0x0], $0xffff;
	[tilespmem:s30+$0xA600] =	vst v8  }
0xda: {  	v49 =	vadd.s32 $0x2300, v3;
	v11 =	vld.idx.msk [tilespmem:v43+s11+$0x0], $0xffff;
	[tilespmem:s9+$0xA600] =	vst v9  }
0xdb: {  	v50 =	vadd.s32 $0x2300, v4;
	v2 =	vld.idx.msk [tilespmem:v44+s11+$0x0], $0xffff;
	[tilespmem:s19+$0xA600] =	vst v12  }
0xdc: {  	[tilespmem:s24+$0xA680] =	vst v45;
	v51 =	vadd.s32 $0x2300, v5;
	v52 =	vld.idx.msk [tilespmem:v46+s11+$0x0], $0xffff  }
0xdd: {  	v54 =	vadd.s32 $0x2300, v6;
	v53 =	vld.idx.msk [tilespmem:v47+s11+$0x0], $0xffff;
	[tilespmem:s26+$0xA680] =	vst v16  }
0xde: {  	v55 =	vadd.s32 $0x2380, v0;
	v10 =	vld.idx.msk [tilespmem:v48+s11+$0x0], $0xffff;
	[tilespmem:s28+$0xA680] =	vst v7  }
0xdf: {  	v56 =	vadd.s32 $0x2380, v1;
	v7 =	vld.idx.msk [tilespmem:v49+s11+$0x0], $0xffff;
	[tilespmem:s30+$0xA680] =	vst v11  }
0xe0: {  	v57 =	vadd.s32 $0x2380, v3;
	v58 =	vld.idx.msk [tilespmem:v50+s11+$0x0], $0xffff;
	[tilespmem:s9+$0xA680] =	vst v2  }
0xe1: {  	v59 =	vadd.s32 $0x2380, v4;
	v60 =	vld.idx.msk [tilespmem:v51+s11+$0x0], $0xffff;
	[tilespmem:s19+$0xA680] =	vst v52  }
0xe2: {  	[tilespmem:s24+$0xA700] =	vst v53;
	v61 =	vadd.s32 $0x2380, v5;
	v62 =	vld.idx.msk [tilespmem:v54+s11+$0x0], $0xffff  }
0xe3: {  	v6 =	vadd.s32 $0x2380, v6;
	v0 =	vld.idx.msk [tilespmem:v55+s11+$0x0], $0xffff;
	[tilespmem:s26+$0xA700] =	vst v10  }
0xe4: {  	v1 =	vld.idx.msk [tilespmem:v56+s11+$0x0], $0xffff;
	[tilespmem:s28+$0xA700] =	vst v7  }
0xe5: {  	v3 =	vld.idx.msk [tilespmem:v57+s11+$0x0], $0xffff;
	[tilespmem:s30+$0xA700] =	vst v58  }
0xe6: {  	v2 =	vld.idx.msk [tilespmem:v59+s11+$0x0], $0xffff;
	[tilespmem:s9+$0xA700] =	vst v60  }
0xe7: {  	v4 =	vld.idx.msk [tilespmem:v61+s11+$0x0], $0xffff;
	[tilespmem:s19+$0xA700] =	vst v62  }
0xe8: {  	[tilespmem:s24+$0xA780] =	vst v0;
	v63 =	vld.idx.msk [tilespmem:v6+s11+$0x0], $0xffff  }
0xe9: {  	p1 =	sne.s32 s21, $0xF;
	[tilespmem:s26+$0xA780] =	vst v1  }
.Ltmp1:
0xea: {  	[tilespmem:s28+$0xA780] =	vst v3;
	(pc) =	sbr.rel @p1 .LBB2_6-.Ltmp1, $4  }
0xeb: {  	[tilespmem:s30+$0xA780] =	vst v2  }
0xec: {  	[tilespmem:s9+$0xA780] =	vst v4  }
0xed: {  	s31 =	simm.s32 $0x8400;
	s30 =	sadd.s32 s23, s7;
	[tilespmem:s19+$0xA780] =	vst v63  }
0xee: {  	[hbm4b:s30+s5] =	stream.linear.scatter [tilespmem:s31], [sflag:$0x3], $0x4000, $0x38;
	[tilespmem:$0x10400] =	vst v63  }
.Ltmp2:
0xef: {  	(pc) =	sbr.rel .LBB2_7-.Ltmp2, $4  }
0xf0: {  	_ = 	snop  }
0xf1: {  	_ =	swait.ge [sflag:s16], $0x4000  }
0xf2: {  	[sflag:s16] =	ssyncset.done $0x0  }
0xf3: {  	[sflag:s16] =	ssyncadd.s32 $0xFFFFC000  }
.LBB2_6:
0xf4: {  	s0 =	rddreg [dreg:$0x5]  }
.Ltmp3:
0xf5: {  	s0 =	sadd.s32 s23, s0;
	(pc) =	sbr.rel @p0 .LBB2_8-.Ltmp3, $4  }
0xf6: {  	[tilespmem:s11], [sflag:$0x1] =	stream.linear.gather [hbm4b:s0+s5], $0x4000, $0x38;
	[tilespmem:$0x10400] =	vst v63  }
0xf7: {  	_ =	swait.ge [sflag:s16], $0x4000  }
0xf8: {  	[sflag:s16] =	ssyncset.done $0x0  }
0xf9: {  	[sflag:s16] =	ssyncadd.s32 $0xFFFFC000  }
.LBB2_7:
0xfa: {  	_ =	swait.ge [sflag:s17], $0x4000  }
0xfb: {  	[sflag:s17] =	ssyncset.done $0x0  }
0xfc: {  	[sflag:s17] =	ssyncadd.s32 $0xFFFFC000  }
.LBB2_8:
0xfd: {  	s0 =	simm.s32 $0x0  }
0xfe: {  	v0 =	vld [tilespmem:s0+$0x0];
	_ =	sdelay $0x4  }
0xff: {  	v1 =	vshll.u32 v0, $0x3  }
0x100: {  	v0 =	vand.u32 $0x7F, v0;
	v1 =	vand.u32 $0xFFFFFC00, v1  }
0x101: {  	v6 =	vor.u32 v0, v1;
	_ =	sdelay $0x4  }
0x102: {  	v0 =	vld.idx.msk [tilespmem:v6+s13+$0x0], $0xffff  }
0x103: {  	v1 =	vor.u32 $0x80, v6  }
0x104: {  	s2 =	simm.s32 $0x10  }
0x105: {  	v2 =	vld [tilespmem:s2+$0x0];
	s1 =	sand.u32 $0x70, s0;
	s3 =	sand.u32 $0x1C00, s0  }
0x106: {  	s28 =	sor.u32 s1, s3  }
0x107: {  	[tilespmem:s28+$0xC400] =	vst v0  }
0x108: {  	v0 =	vld.idx.msk [tilespmem:v1+s13+$0x0], $0xffff  }
0x109: {  	v1 =	vor.u32 $0x100, v6  }
0x10a: {  	v3 =	vshll.u32 v2, $0x3  }
0x10b: {  	v2 =	vand.u32 $0x7F, v2;
	v3 =	vand.u32 $0xFFFFFC00, v3  }
0x10c: {  	v2 =	vor.u32 v2, v3  }
0x10d: {  	[tilespmem:s28+$0xC480] =	vst v0  }
0x10e: {  	v0 =	vld.idx.msk [tilespmem:v1+s13+$0x0], $0xffff  }
0x10f: {  	v1 =	vor.u32 $0x180, v6;
	_ =	sdelay $0x1  }
0x110: {  	v3 =	vld.idx.msk [tilespmem:v2+s13+$0x0], $0xffff  }
0x111: {  	s6 =	simm.s32 $0x20;
	v4 =	vor.u32 $0x80, v2  }
0x112: {  	s15 =	simm.s32 $0x80;
	v5 =	vld [tilespmem:s6+$0x0];
	[tilespmem:s28+$0xC500] =	vst v0  }
0x113: {  	s20 =	sand.u32 $0x70, s2;
	s4 =	sand.u32 $0x1C00, s15;
	v0 =	vld.idx.msk [tilespmem:v1+s13+$0x0], $0xffff  }
0x114: {  	s24 =	sor.u32 s20, s4;
	v1 =	vor.u32 $0x200, v6  }
0x115: {  	[tilespmem:s24+$0xC400] =	vst v3  }
0x116: {  	v3 =	vld.idx.msk [tilespmem:v4+s13+$0x0], $0xffff  }
0x117: {  	v7 =	vshll.u32 v5, $0x3;
	v4 =	vor.u32 $0x100, v2  }
0x118: {  	[tilespmem:s28+$0xC580] =	vst v0;
	v0 =	vand.u32 $0x7F, v5;
	v5 =	vand.u32 $0xFFFFFC00, v7  }
0x119: {  	v1 =	vld.idx.msk [tilespmem:v1+s13+$0x0], $0xffff;
	v0 =	vor.u32 v0, v5  }
0x11a: {  	v5 =	vor.u32 $0x280, v6  }
0x11b: {  	[tilespmem:s24+$0xC480] =	vst v3  }
0x11c: {  	v3 =	vld.idx.msk [tilespmem:v4+s13+$0x0], $0xffff  }
0x11d: {  	v4 =	vor.u32 $0x180, v2  }
0x11e: {  	v7 =	vld.idx.msk [tilespmem:v0+s13+$0x0], $0xffff;
	[tilespmem:s28+$0xC600] =	vst v1  }
0x11f: {  	v1 =	vld.idx.msk [tilespmem:v5+s13+$0x0], $0xffff;
	v5 =	vor.u32 $0x80, v0  }
0x120: {  	s9 =	simm.s32 $0x30;
	s12 =	simm.s32 $0x100;
	v8 =	vor.u32 $0x300, v6  }
0x121: {  	v9 =	vld [tilespmem:s9+$0x0];
	s23 =	sand.u32 $0x70, s6;
	s25 =	sand.u32 $0x1C00, s12;
	[tilespmem:s24+$0xC500] =	vst v3  }
0x122: {  	s23 =	sor.u32 s23, s25;
	v3 =	vld.idx.msk [tilespmem:v4+s13+$0x0], $0xffff  }
0x123: {  	v4 =	vor.u32 $0x200, v2;
	[tilespmem:s23+$0xC400] =	vst v7  }
0x124: {  	v5 =	vld.idx.msk [tilespmem:v5+s13+$0x0], $0xffff;
	[tilespmem:s28+$0xC680] =	vst v1  }
0x125: {  	v7 =	vld.idx.msk [tilespmem:v8+s13+$0x0], $0xffff;
	v8 =	vor.u32 $0x100, v0  }
0x126: {  	v10 =	vor.u32 $0x380, v6;
	v1 =	vshll.u32 v9, $0x3  }
0x127: {  	[tilespmem:s24+$0xC580] =	vst v3;
	v3 =	vand.u32 $0x7F, v9;
	v1 =	vand.u32 $0xFFFFFC00, v1  }
0x128: {  	v4 =	vld.idx.msk [tilespmem:v4+s13+$0x0], $0xffff;
	v1 =	vor.u32 v3, v1  }
0x129: {  	v3 =	vor.u32 $0x280, v2;
	[tilespmem:s23+$0xC480] =	vst v5  }
0x12a: {  	v5 =	vld.idx.msk [tilespmem:v8+s13+$0x0], $0xffff;
	[tilespmem:s28+$0xC700] =	vst v7  }
0x12b: {  	v8 =	vor.u32 $0x180, v0;
	v7 =	vld.idx.msk [tilespmem:v10+s13+$0x0], $0xffff  }
0x12c: {  	v9 =	vadd.s32 $0x2000, v6  }
0x12d: {  	[tilespmem:s24+$0xC600] =	vst v4;
	v10 =	vld.idx.msk [tilespmem:v1+s13+$0x0], $0xffff  }
0x12e: {  	s30 =	simm.s32 $0x40;
	s0 =	sor.u32 s0, s0;
	v4 =	vor.u32 $0x80, v1;
	v3 =	vld.idx.msk [tilespmem:v3+s13+$0x0], $0xffff  }
0x12f: {  	s19 =	simm.s32 $0x180;
	v11 =	vld [tilespmem:s30+$0x0];
	s0 =	sor.u32 $0x380, s0;
	[tilespmem:s23+$0xC500] =	vst v5;
	v5 =	vor.u32 $0x300, v2  }
0x130: {  	s26 =	sand.u32 $0x70, s9;
	s31 =	sand.u32 $0x1C00, s19;
	v8 =	vld.idx.msk [tilespmem:v8+s13+$0x0], $0xffff;
	[tilespmem:s0+$0xC400] =	vst v7  }
0x131: {  	s25 =	sor.u32 s26, s31;
	v7 =	vld.idx.msk [tilespmem:v9+s13+$0x0], $0xffff;
	v9 =	vor.u32 $0x200, v0  }
0x132: {  	[tilespmem:s25+$0xC400] =	vst v10;
	v10 =	vadd.s32 $0x2080, v6  }
0x133: {  	[tilespmem:s24+$0xC680] =	vst v3;
	v4 =	vld.idx.msk [tilespmem:v4+s13+$0x0], $0xffff  }
0x134: {  	v12 =	vor.u32 $0x100, v1;
	v3 =	vshll.u32 v11, $0x3;
	v5 =	vld.idx.msk [tilespmem:v5+s13+$0x0], $0xffff  }
0x135: {  	v11 =	vand.u32 $0x7F, v11;
	v3 =	vand.u32 $0xFFFFFC00, v3;
	[tilespmem:s23+$0xC580] =	vst v8;
	v8 =	vor.u32 $0x380, v2  }
0x136: {  	v3 =	vor.u32 v11, v3;
	v9 =	vld.idx.msk [tilespmem:v9+s13+$0x0], $0xffff;
	[tilespmem:s28+$0xE400] =	vst v7  }
0x137: {  	v7 =	vld.idx.msk [tilespmem:v10+s13+$0x0], $0xffff;
	v10 =	vor.u32 $0x280, v0  }
0x138: {  	[tilespmem:s25+$0xC480] =	vst v4;
	v4 =	vadd.s32 $0x2100, v6  }
0x139: {  	v11 =	vld.idx.msk [tilespmem:v12+s13+$0x0], $0xffff;
	[tilespmem:s24+$0xC700] =	vst v5  }
0x13a: {  	v5 =	vld.idx.msk [tilespmem:v8+s13+$0x0], $0xffff;
	v8 =	vor.u32 $0x180, v1  }
0x13b: {  	v12 =	vld.idx.msk [tilespmem:v3+s13+$0x0], $0xffff;
	[tilespmem:s23+$0xC600] =	vst v9;
	v9 =	vadd.s32 $0x2000, v2  }
0x13c: {  	v10 =	vld.idx.msk [tilespmem:v10+s13+$0x0], $0xffff;
	[tilespmem:s28+$0xE480] =	vst v7;
	v7 =	vor.u32 $0x80, v3  }
0x13d: {  	s1 =	sor.u32 s15, s2;
	s2 =	simm.s32 $0x200;
	v13 =	vor.u32 $0x300, v0;
	s0 =	simm.s32 $0x50;
	v4 =	vld.idx.msk [tilespmem:v4+s13+$0x0], $0xffff  }
0x13e: {  	s8 =	sand.u32 $0x70, s30;
	s1 =	sor.u32 $0x380, s1;
	s15 =	sand.u32 $0x1C00, s2;
	v14 =	vld [tilespmem:s0+$0x0];
	[tilespmem:s25+$0xC500] =	vst v11;
	v11 =	vadd.s32 $0x2180, v6  }
0x13f: {  	s26 =	sor.u32 s8, s15;
	v8 =	vld.idx.msk [tilespmem:v8+s13+$0x0], $0xffff;
	[tilespmem:s1+$0xC400] =	vst v5  }
0x140: {  	[tilespmem:s26+$0xC400] =	vst v12;
	v5 =	vld.idx.msk [tilespmem:v9+s13+$0x0], $0xffff;
	v9 =	vor.u32 $0x200, v1  }
0x141: {  	v7 =	vld.idx.msk [tilespmem:v7+s13+$0x0], $0xffff;
	[tilespmem:s23+$0xC680] =	vst v10;
	v10 =	vadd.s32 $0x2080, v2  }
0x142: {  	v12 =	vld.idx.msk [tilespmem:v13+s13+$0x0], $0xffff;
	[tilespmem:s28+$0xE500] =	vst v4;
	v13 =	vor.u32 $0x100, v3  }
0x143: {  	s3 =	simm.s32 $0x60;
	v15 =	vor.u32 $0x380, v0;
	v4 =	vshll.u32 v14, $0x3;
	v11 =	vld.idx.msk [tilespmem:v11+s13+$0x0], $0xffff  }
0x144: {  	v16 =	vld [tilespmem:s3+$0x0];
	v4 =	vand.u32 $0xFFFFFC00, v4;
	[tilespmem:s25+$0xC580] =	vst v8;
	v8 =	vand.u32 $0x7F, v14;
	v14 =	vadd.s32 $0x2200, v6  }
0x145: {  	v9 =	vld.idx.msk [tilespmem:v9+s13+$0x0], $0xffff;
	[tilespmem:s24+$0xE400] =	vst v5;
	v4 =	vor.u32 v8, v4  }
0x146: {  	v5 =	vld.idx.msk [tilespmem:v10+s13+$0x0], $0xffff;
	[tilespmem:s26+$0xC480] =	vst v7;
	v7 =	vor.u32 $0x280, v1  }
0x147: {  	v10 =	vadd.s32 $0x2100, v2;
	v8 =	vld.idx.msk [tilespmem:v13+s13+$0x0], $0xffff;
	[tilespmem:s23+$0xC700] =	vst v12  }
0x148: {  	v12 =	vld.idx.msk [tilespmem:v15+s13+$0x0], $0xffff;
	[tilespmem:s28+$0xE580] =	vst v11;
	v11 =	vor.u32 $0x180, v3  }
0x149: {  	v13 =	vld.idx.msk [tilespmem:v14+s13+$0x0], $0xffff;
	v14 =	vadd.s32 $0x2000, v0  }
0x14a: {  	v15 =	vld.idx.msk [tilespmem:v4+s13+$0x0], $0xffff;
	[tilespmem:s25+$0xC600] =	vst v9;
	v9 =	vadd.s32 $0x2280, v6  }
0x14b: {  	s20 =	sor.u32 s12, s6;
	v7 =	vld.idx.msk [tilespmem:v7+s13+$0x0], $0xffff;
	[tilespmem:s24+$0xE480] =	vst v5  }
0x14c: {  	s6 =	simm.s32 $0x280;
	s1 =	sor.u32 $0x380, s20;
	v5 =	vor.u32 $0x80, v4;
	v10 =	vld.idx.msk [tilespmem:v10+s13+$0x0], $0xffff;
	[tilespmem:s26+$0xC500] =	vst v8  }
0x14d: {  	s8 =	sand.u32 $0x1C00, s6;
	s31 =	sand.u32 $0x70, s0;
	v8 =	vor.u32 $0x300, v1;
	v11 =	vld.idx.msk [tilespmem:v11+s13+$0x0], $0xffff;
	[tilespmem:s1+$0xC400] =	vst v12  }
0x14e: {  	s29 =	sor.u32 s31, s8;
	v12 =	vadd.s32 $0x2180, v2;
	v14 =	vld.idx.msk [tilespmem:v14+s13+$0x0], $0xffff;
	[tilespmem:s28+$0xE600] =	vst v13  }
0x14f: {  	s12 =	simm.s32 $0x70;
	v13 =	vor.u32 $0x200, v3;
	[tilespmem:s29+$0xC400] =	vst v15;
	v15 =	vld.idx.msk [tilespmem:v9+s13+$0x0], $0xffff  }
0x150: {  	v9 =	vld [tilespmem:s12+$0x0];
	[tilespmem:s25+$0xC680] =	vst v7;
	v7 =	vadd.s32 $0x2080, v0  }
0x151: {  	v17 =	vld.idx.msk [tilespmem:v5+s13+$0x0], $0xffff;
	[tilespmem:s24+$0xE500] =	vst v10;
	v10 =	vadd.s32 $0x2300, v6  }
0x152: {  	v18 =	vor.u32 $0x100, v4;
	v5 =	vshll.u32 v16, $0x3;
	v8 =	vld.idx.msk [tilespmem:v8+s13+$0x0], $0xffff  }
0x153: {  	v16 =	vand.u32 $0x7F, v16;
	v5 =	vand.u32 $0xFFFFFC00, v5;
	v12 =	vld.idx.msk [tilespmem:v12+s13+$0x0], $0xffff;
	[tilespmem:s26+$0xC580] =	vst v11;
	v11 =	vor.u32 $0x380, v1  }
0x154: {  	v5 =	vor.u32 v16, v5;
	v13 =	vld.idx.msk [tilespmem:v13+s13+$0x0], $0xffff;
	[tilespmem:s23+$0xE400] =	vst v14  }
0x155: {  	v14 =	vadd.s32 $0x2200, v2;
	[tilespmem:s28+$0xE680] =	vst v15;
	v7 =	vld.idx.msk [tilespmem:v7+s13+$0x0], $0xffff  }
0x156: {  	v15 =	vor.u32 $0x280, v3;
	[tilespmem:s29+$0xC480] =	vst v17;
	v17 =	vld.idx.msk [tilespmem:v10+s13+$0x0], $0xffff  }
0x157: {  	v18 =	vld.idx.msk [tilespmem:v18+s13+$0x0], $0xffff;
	[tilespmem:s25+$0xC700] =	vst v8;
	v8 =	vadd.s32 $0x2100, v0  }
0x158: {  	v6 =	vadd.s32 $0x2380, v6;
	v19 =	vld.idx.msk [tilespmem:v11+s13+$0x0], $0xffff  }
0x159: {  	v20 =	vor.u32 $0x180, v4;
	[tilespmem:s24+$0xE580] =	vst v12;
	v16 =	vld.idx.msk [tilespmem:v5+s13+$0x0], $0xffff  }
0x15a: {  	v22 =	vadd.s32 $0x2000, v1;
	v21 =	vld.idx.msk [tilespmem:v14+s13+$0x0], $0xffff;
	[tilespmem:s26+$0xC600] =	vst v13  }
0x15b: {  	v11 =	vadd.s32 $0x2280, v2;
	v13 =	vld.idx.msk [tilespmem:v15+s13+$0x0], $0xffff;
	[tilespmem:s23+$0xE480] =	vst v7  }
0x15c: {  	s9 =	sor.u32 s19, s9;
	v10 =	vld.idx.msk [tilespmem:v8+s13+$0x0], $0xffff;
	[tilespmem:s28+$0xE700] =	vst v17;
	v17 =	vor.u32 $0x80, v5  }
0x15d: {  	s20 =	simm.s32 $0x300;
	s1 =	sor.u32 $0x380, s9;
	v14 =	vor.u32 $0x300, v3;
	[tilespmem:s29+$0xC500] =	vst v18;
	v12 =	vld.idx.msk [tilespmem:v6+s13+$0x0], $0xffff  }
0x15e: {  	s15 =	sand.u32 $0x70, s3;
	s31 =	sand.u32 $0x1C00, s20;
	v8 =	vadd.s32 $0x2180, v0;
	v15 =	vld.idx.msk [tilespmem:v20+s13+$0x0], $0xffff;
	[tilespmem:s1+$0xC400] =	vst v19  }
0x15f: {  	s19 =	simm.s32 $0x80;
	s9 =	sor.u32 s15, s31;
	s1 =	simm.s32 $0x70;
	v7 =	vld.idx.msk [tilespmem:v22+s13+$0x0], $0xffff;
	[tilespmem:s24+$0xE600] =	vst v21  }
.LBB2_9:
0x160: {  	p0 =	sne.s32 s19, $0x3F0;
	[tilespmem:s9+$0xC400] =	vst v16;
	v6 =	vor.u32 $0x200, v4;
	v11 =	vld.idx.msk [tilespmem:v11+s13+$0x0], $0xffff;
	s4 =	smov.u32 s12;
	s12 =	smov.u32 s19  }
0x161: {  	v16 =	vld.idx.msk [tilespmem:v17+s13+$0x0], $0xffff;
	[tilespmem:s26+$0xC680] =	vst v13;
	v13 =	vadd.s32 $0x2080, v1  }
0x162: {  	v14 =	vld.idx.msk [tilespmem:v14+s13+$0x0], $0xffff;
	[tilespmem:s23+$0xE500] =	vst v10;
	v10 =	vadd.s32 $0x2300, v2  }
0x163: {  	s1 =	sadd.s32 $0x10, s1;
	v17 =	vor.u32 $0x100, v5;
	v8 =	vld.idx.msk [tilespmem:v8+s13+$0x0], $0xffff;
	[tilespmem:s28+$0xE780] =	vst v12;
	s28 =	smov.u32 s24;
	s24 =	smov.u32 s23  }
0x164: {  	v18 =	vshll.u32 v9, $0x3;
	s23 =	smov.u32 s25;
	s25 =	smov.u32 s26;
	s26 =	smov.u32 s29;
	v12 =	vld [tilespmem:s1+$0x0];
	[tilespmem:s29+$0xC580] =	vst v15;
	v15 =	vor.u32 $0x380, v3  }
0x165: {  	v9 =	vand.u32 $0x7F, v9;
	v18 =	vand.u32 $0xFFFFFC00, v18;
	s29 =	smov.u32 s9;
	v6 =	vld.idx.msk [tilespmem:v6+s13+$0x0], $0xffff;
	[tilespmem:s23+$0xE400] =	vst v7;
	v7 =	vadd.s32 $0x2200, v0  }
0x166: {  	v18 =	vor.u32 v9, v18;
	v19 =	vld.idx.msk [tilespmem:v13+s13+$0x0], $0xffff;
	[tilespmem:s28+$0xE680] =	vst v11  }
0x167: {  	v11 =	vor.u32 $0x280, v4;
	[tilespmem:s29+$0xC480] =	vst v16;
	v20 =	vld.idx.msk [tilespmem:v10+s13+$0x0], $0xffff  }
0x168: {  	v10 =	vadd.s32 $0x2100, v1;
	v21 =	vld.idx.msk [tilespmem:v17+s13+$0x0], $0xffff;
	[tilespmem:s25+$0xC700] =	vst v14  }
0x169: {  	v22 =	vld.idx.msk [tilespmem:v15+s13+$0x0], $0xffff;
	[tilespmem:s24+$0xE580] =	vst v8;
	v8 =	vadd.s32 $0x2380, v2;
	v9 =	vmovc v12;
	v2 =	vmovc v0;
	v0 =	vmov v1;
	v1 =	vmov v3  }
0x16a: {  	v15 =	vor.u32 $0x180, v5;
	v3 =	vmovc v4;
	v4 =	vmov v5;
	v5 =	vmov v18;
	v23 =	vld.idx.msk [tilespmem:v7+s13+$0x0], $0xffff  }
0x16b: {  	v16 =	vld.idx.msk [tilespmem:v18+s13+$0x0], $0xffff;
	[tilespmem:s26+$0xC600] =	vst v6;
	v6 =	vadd.s32 $0x2000, v1  }
.Ltmp4:
0x16c: {  	v13 =	vld.idx.msk [tilespmem:v11+s13+$0x0], $0xffff;
	[tilespmem:s23+$0xE480] =	vst v19;
	v11 =	vadd.s32 $0x2280, v2;
	(pc) =	sbr.rel @p0 .LBB2_9-.Ltmp4, $4  }
0x16d: {  	s8 =	sor.u32 s2, s30;
	s2 =	smov.u32 s6;
	s6 =	smov.u32 s20;
	v17 =	vor.u32 $0x80, v5;
	v10 =	vld.idx.msk [tilespmem:v10+s13+$0x0], $0xffff;
	[tilespmem:s28+$0xE700] =	vst v20  }
0x16e: {  	s20 =	sadd.s32 $0x80, s20;
	s30 =	smov.u32 s0;
	s8 =	sor.u32 $0x380, s8;
	v14 =	vor.u32 $0x300, v3;
	[tilespmem:s29+$0xC500] =	vst v21;
	v12 =	vld.idx.msk [tilespmem:v8+s13+$0x0], $0xffff  }
0x16f: {  	s0 =	smov.u32 s3;
	s15 =	sand.u32 $0x1C00, s20;
	s9 =	sand.u32 $0x70, s4;
	v8 =	vadd.s32 $0x2180, v0;
	v15 =	vld.idx.msk [tilespmem:v15+s13+$0x0], $0xffff;
	[tilespmem:s8+$0xC400] =	vst v22  }
0x170: {  	s19 =	sadd.s32 $0x10, s19;
	s3 =	smov.u32 s4;
	s9 =	sor.u32 s9, s15;
	v7 =	vld.idx.msk [tilespmem:v6+s13+$0x0], $0xffff;
	[tilespmem:s24+$0xE600] =	vst v23  }
0x171: {  	v6 =	vshll.u32 v9, $0x3  }
0x172: {  	v34 =	vand.u32 $0x7F, v9;
	v6 =	vand.u32 $0xFFFFFC00, v6  }
0x173: {  	v6 =	vor.u32 v34, v6;
	_ =	sdelay $0x4  }
0x174: {  	v9 =	vld.idx.msk [tilespmem:v6+s13+$0x0], $0xffff  }
0x175: {  	v18 =	vor.u32 $0x80, v6  }
0x176: {  	s1 =	sadd.s32 $0x80, s20  }
0x177: {  	s4 =	sand.u32 $0x70, s12;
	s8 =	sand.u32 $0x1C00, s1  }
0x178: {  	[tilespmem:s9+$0xC400] =	vst v16;
	s19 =	sor.u32 s4, s8  }
0x179: {  	v16 =	vld.idx.msk [tilespmem:v17+s13+$0x0], $0xffff;
	[tilespmem:s19+$0xC400] =	vst v9  }
0x17a: {  	v35 =	vor.u32 $0x100, v5;
	v36 =	vld.idx.msk [tilespmem:v18+s13+$0x0], $0xffff  }
0x17b: {  	v37 =	vor.u32 $0x100, v6;
	_ =	sdelay $0x2  }
0x17c: {  	[tilespmem:s9+$0xC480] =	vst v16  }
0x17d: {  	v9 =	vld.idx.msk [tilespmem:v35+s13+$0x0], $0xffff;
	[tilespmem:s19+$0xC480] =	vst v36  }
0x17e: {  	v38 =	vor.u32 $0x180, v5;
	v17 =	vld.idx.msk [tilespmem:v37+s13+$0x0], $0xffff  }
0x17f: {  	v39 =	vor.u32 $0x180, v6;
	_ =	sdelay $0x2  }
0x180: {  	[tilespmem:s9+$0xC500] =	vst v9  }
0x181: {  	v40 =	vor.u32 $0x200, v4;
	v16 =	vld.idx.msk [tilespmem:v38+s13+$0x0], $0xffff;
	[tilespmem:s19+$0xC500] =	vst v17  }
0x182: {  	v41 =	vor.u32 $0x200, v5;
	v18 =	vld.idx.msk [tilespmem:v39+s13+$0x0], $0xffff  }
0x183: {  	v19 =	vor.u32 $0x200, v6;
	_ =	sdelay $0x1  }
0x184: {  	[tilespmem:s29+$0xC580] =	vst v15  }
0x185: {  	v9 =	vld.idx.msk [tilespmem:v40+s13+$0x0], $0xffff;
	[tilespmem:s9+$0xC580] =	vst v16  }
0x186: {  	v42 =	vor.u32 $0x280, v4;
	v16 =	vld.idx.msk [tilespmem:v41+s13+$0x0], $0xffff;
	[tilespmem:s19+$0xC580] =	vst v18  }
0x187: {  	v43 =	vor.u32 $0x280, v5;
	v18 =	vld.idx.msk [tilespmem:v19+s13+$0x0], $0xffff  }
0x188: {  	v44 =	vor.u32 $0x280, v6;
	_ =	sdelay $0x1  }
0x189: {  	[tilespmem:s29+$0xC600] =	vst v9  }
0x18a: {  	v9 =	vld.idx.msk [tilespmem:v42+s13+$0x0], $0xffff;
	[tilespmem:s9+$0xC600] =	vst v16  }
0x18b: {  	v45 =	vor.u32 $0x300, v4;
	v16 =	vld.idx.msk [tilespmem:v43+s13+$0x0], $0xffff;
	[tilespmem:s19+$0xC600] =	vst v18  }
0x18c: {  	v46 =	vor.u32 $0x300, v5;
	v18 =	vld.idx.msk [tilespmem:v44+s13+$0x0], $0xffff  }
0x18d: {  	v47 =	vor.u32 $0x300, v6  }
0x18e: {  	[tilespmem:s26+$0xC680] =	vst v13  }
0x18f: {  	v13 =	vld.idx.msk [tilespmem:v14+s13+$0x0], $0xffff;
	[tilespmem:s29+$0xC680] =	vst v9  }
0x190: {  	v48 =	vor.u32 $0x380, v3;
	v49 =	vld.idx.msk [tilespmem:v45+s13+$0x0], $0xffff;
	[tilespmem:s9+$0xC680] =	vst v16  }
0x191: {  	v50 =	vor.u32 $0x380, v4;
	v16 =	vld.idx.msk [tilespmem:v46+s13+$0x0], $0xffff;
	[tilespmem:s19+$0xC680] =	vst v18  }
0x192: {  	v51 =	vor.u32 $0x380, v5;
	v18 =	vld.idx.msk [tilespmem:v47+s13+$0x0], $0xffff  }
0x193: {  	v52 =	vor.u32 $0x380, v6  }
0x194: {  	[tilespmem:s26+$0xC700] =	vst v13  }
0x195: {  	v9 =	vld.idx.msk [tilespmem:v48+s13+$0x0], $0xffff;
	[tilespmem:s29+$0xC700] =	vst v49  }
0x196: {  	v53 =	vadd.s32 $0x2000, v3;
	v14 =	vld.idx.msk [tilespmem:v50+s13+$0x0], $0xffff;
	[tilespmem:s9+$0xC700] =	vst v16  }
0x197: {  	v54 =	vadd.s32 $0x2000, v4;
	v16 =	vld.idx.msk [tilespmem:v51+s13+$0x0], $0xffff;
	[tilespmem:s19+$0xC700] =	vst v18  }
0x198: {  	s2 =	sor.u32 s2, s30;
	v55 =	vadd.s32 $0x2000, v5;
	[tilespmem:s23+$0xE500] =	vst v10;
	v56 =	vld.idx.msk [tilespmem:v52+s13+$0x0], $0xffff  }
0x199: {  	s0 =	sor.u32 s6, s0;
	s2 =	sor.u32 $0x380, s2;
	[tilespmem:s28+$0xE780] =	vst v12;
	v57 =	vadd.s32 $0x2000, v6  }
0x19a: {  	v11 =	vld.idx.msk [tilespmem:v11+s13+$0x0], $0xffff;
	s15 =	sor.u32 s20, s3;
	s0 =	sor.u32 $0x380, s0;
	[tilespmem:s2+$0xC400] =	vst v9  }
0x19b: {  	v58 =	vadd.s32 $0x2080, v1;
	s20 =	sor.u32 $0x380, s15;
	s1 =	sor.u32 s1, s12;
	v13 =	vld.idx.msk [tilespmem:v53+s13+$0x0], $0xffff;
	[tilespmem:s0+$0xC400] =	vst v14  }
0x19c: {  	v59 =	vadd.s32 $0x2080, v3;
	s28 =	sor.u32 $0x380, s1;
	v15 =	vld.idx.msk [tilespmem:v54+s13+$0x0], $0xffff;
	[tilespmem:s20+$0xC400] =	vst v16  }
0x19d: {  	v60 =	vadd.s32 $0x2080, v4;
	v10 =	vld.idx.msk [tilespmem:v55+s13+$0x0], $0xffff;
	[tilespmem:s28+$0xC400] =	vst v56  }
0x19e: {  	v61 =	vadd.s32 $0x2080, v5;
	[tilespmem:s25+$0xE400] =	vst v7;
	v12 =	vld.idx.msk [tilespmem:v57+s13+$0x0], $0xffff  }
0x19f: {  	v8 =	vld.idx.msk [tilespmem:v8+s13+$0x0], $0xffff;
	v62 =	vadd.s32 $0x2080, v6;
	[tilespmem:s24+$0xE680] =	vst v11  }
0x1a0: {  	v63 =	vadd.s32 $0x2300, v2;
	v9 =	vld.idx.msk [tilespmem:v58+s13+$0x0], $0xffff;
	[tilespmem:s26+$0xE400] =	vst v13  }
0x1a1: {  	v20 =	vadd.s32 $0x2100, v1;
	v14 =	vld.idx.msk [tilespmem:v59+s13+$0x0], $0xffff;
	[tilespmem:s29+$0xE400] =	vst v15  }
0x1a2: {  	v21 =	vadd.s32 $0x2100, v3;
	v16 =	vld.idx.msk [tilespmem:v60+s13+$0x0], $0xffff;
	[tilespmem:s9+$0xE400] =	vst v10  }
0x1a3: {  	v22 =	vadd.s32 $0x2100, v4;
	v7 =	vld.idx.msk [tilespmem:v61+s13+$0x0], $0xffff;
	[tilespmem:s19+$0xE400] =	vst v12  }
0x1a4: {  	v23 =	vadd.s32 $0x2100, v5;
	[tilespmem:s23+$0xE580] =	vst v8;
	v11 =	vld.idx.msk [tilespmem:v62+s13+$0x0], $0xffff  }
0x1a5: {  	v25 =	vadd.s32 $0x2100, v6;
	v24 =	vld.idx.msk [tilespmem:v63+s13+$0x0], $0xffff;
	[tilespmem:s25+$0xE480] =	vst v9  }
0x1a6: {  	v26 =	vadd.s32 $0x2200, v0;
	v13 =	vld.idx.msk [tilespmem:v20+s13+$0x0], $0xffff;
	[tilespmem:s26+$0xE480] =	vst v14  }
0x1a7: {  	v27 =	vadd.s32 $0x2180, v1;
	v15 =	vld.idx.msk [tilespmem:v21+s13+$0x0], $0xffff;
	[tilespmem:s29+$0xE480] =	vst v16  }
0x1a8: {  	v28 =	vadd.s32 $0x2180, v3;
	v10 =	vld.idx.msk [tilespmem:v22+s13+$0x0], $0xffff;
	[tilespmem:s9+$0xE480] =	vst v7  }
0x1a9: {  	v29 =	vadd.s32 $0x2180, v4;
	v8 =	vld.idx.msk [tilespmem:v23+s13+$0x0], $0xffff;
	[tilespmem:s19+$0xE480] =	vst v11  }
0x1aa: {  	v30 =	vadd.s32 $0x2180, v5;
	[tilespmem:s24+$0xE700] =	vst v24;
	v9 =	vld.idx.msk [tilespmem:v25+s13+$0x0], $0xffff  }
0x1ab: {  	v32 =	vadd.s32 $0x2180, v6;
	v31 =	vld.idx.msk [tilespmem:v26+s13+$0x0], $0xffff;
	[tilespmem:s25+$0xE500] =	vst v13  }
0x1ac: {  	v33 =	vadd.s32 $0x2380, v2;
	v14 =	vld.idx.msk [tilespmem:v27+s13+$0x0], $0xffff;
	[tilespmem:s26+$0xE500] =	vst v15  }
0x1ad: {  	v34 =	vadd.s32 $0x2200, v1;
	v16 =	vld.idx.msk [tilespmem:v28+s13+$0x0], $0xffff;
	[tilespmem:s29+$0xE500] =	vst v10  }
0x1ae: {  	v35 =	vadd.s32 $0x2200, v3;
	v7 =	vld.idx.msk [tilespmem:v29+s13+$0x0], $0xffff;
	[tilespmem:s9+$0xE500] =	vst v8  }
0x1af: {  	v36 =	vadd.s32 $0x2200, v4;
	v11 =	vld.idx.msk [tilespmem:v30+s13+$0x0], $0xffff;
	[tilespmem:s19+$0xE500] =	vst v9  }
0x1b0: {  	[tilespmem:s23+$0xE600] =	vst v31;
	v37 =	vadd.s32 $0x2200, v5;
	v38 =	vld.idx.msk [tilespmem:v32+s13+$0x0], $0xffff  }
0x1b1: {  	v2 =	vld.idx.msk [tilespmem:v33+s13+$0x0], $0xffff;
	v39 =	vadd.s32 $0x2200, v6;
	[tilespmem:s25+$0xE580] =	vst v14  }
0x1b2: {  	v40 =	vadd.s32 $0x2280, v0;
	v15 =	vld.idx.msk [tilespmem:v34+s13+$0x0], $0xffff;
	[tilespmem:s26+$0xE580] =	vst v16  }
0x1b3: {  	v41 =	vadd.s32 $0x2280, v1;
	v10 =	vld.idx.msk [tilespmem:v35+s13+$0x0], $0xffff;
	[tilespmem:s29+$0xE580] =	vst v7  }
0x1b4: {  	v42 =	vadd.s32 $0x2280, v3;
	v8 =	vld.idx.msk [tilespmem:v36+s13+$0x0], $0xffff;
	[tilespmem:s9+$0xE580] =	vst v11  }
0x1b5: {  	v43 =	vadd.s32 $0x2280, v4;
	v9 =	vld.idx.msk [tilespmem:v37+s13+$0x0], $0xffff;
	[tilespmem:s19+$0xE580] =	vst v38  }
0x1b6: {  	[tilespmem:s24+$0xE780] =	vst v2;
	v44 =	vadd.s32 $0x2280, v5;
	v12 =	vld.idx.msk [tilespmem:v39+s13+$0x0], $0xffff  }
0x1b7: {  	v45 =	vld.idx.msk [tilespmem:v40+s13+$0x0], $0xffff;
	v46 =	vadd.s32 $0x2280, v6;
	[tilespmem:s25+$0xE600] =	vst v15  }
0x1b8: {  	v47 =	vadd.s32 $0x2300, v0;
	v16 =	vld.idx.msk [tilespmem:v41+s13+$0x0], $0xffff;
	[tilespmem:s26+$0xE600] =	vst v10  }
0x1b9: {  	v48 =	vadd.s32 $0x2300, v1;
	v7 =	vld.idx.msk [tilespmem:v42+s13+$0x0], $0xffff;
	[tilespmem:s29+$0xE600] =	vst v8  }
0x1ba: {  	v49 =	vadd.s32 $0x2300, v3;
	v11 =	vld.idx.msk [tilespmem:v43+s13+$0x0], $0xffff;
	[tilespmem:s9+$0xE600] =	vst v9  }
0x1bb: {  	v50 =	vadd.s32 $0x2300, v4;
	v2 =	vld.idx.msk [tilespmem:v44+s13+$0x0], $0xffff;
	[tilespmem:s19+$0xE600] =	vst v12  }
0x1bc: {  	[tilespmem:s23+$0xE680] =	vst v45;
	v51 =	vadd.s32 $0x2300, v5;
	v52 =	vld.idx.msk [tilespmem:v46+s13+$0x0], $0xffff  }
0x1bd: {  	v54 =	vadd.s32 $0x2300, v6;
	v53 =	vld.idx.msk [tilespmem:v47+s13+$0x0], $0xffff;
	[tilespmem:s25+$0xE680] =	vst v16  }
0x1be: {  	v55 =	vadd.s32 $0x2380, v0;
	v10 =	vld.idx.msk [tilespmem:v48+s13+$0x0], $0xffff;
	[tilespmem:s26+$0xE680] =	vst v7  }
0x1bf: {  	v56 =	vadd.s32 $0x2380, v1;
	v7 =	vld.idx.msk [tilespmem:v49+s13+$0x0], $0xffff;
	[tilespmem:s29+$0xE680] =	vst v11  }
0x1c0: {  	v57 =	vadd.s32 $0x2380, v3;
	v58 =	vld.idx.msk [tilespmem:v50+s13+$0x0], $0xffff;
	[tilespmem:s9+$0xE680] =	vst v2  }
0x1c1: {  	v59 =	vadd.s32 $0x2380, v4;
	v60 =	vld.idx.msk [tilespmem:v51+s13+$0x0], $0xffff;
	[tilespmem:s19+$0xE680] =	vst v52  }
0x1c2: {  	[tilespmem:s23+$0xE700] =	vst v53;
	v61 =	vadd.s32 $0x2380, v5;
	v62 =	vld.idx.msk [tilespmem:v54+s13+$0x0], $0xffff  }
0x1c3: {  	v6 =	vadd.s32 $0x2380, v6;
	v0 =	vld.idx.msk [tilespmem:v55+s13+$0x0], $0xffff;
	[tilespmem:s25+$0xE700] =	vst v10  }
0x1c4: {  	v1 =	vld.idx.msk [tilespmem:v56+s13+$0x0], $0xffff;
	[tilespmem:s26+$0xE700] =	vst v7  }
0x1c5: {  	v3 =	vld.idx.msk [tilespmem:v57+s13+$0x0], $0xffff;
	[tilespmem:s29+$0xE700] =	vst v58  }
0x1c6: {  	v2 =	vld.idx.msk [tilespmem:v59+s13+$0x0], $0xffff;
	[tilespmem:s9+$0xE700] =	vst v60  }
0x1c7: {  	v4 =	vld.idx.msk [tilespmem:v61+s13+$0x0], $0xffff;
	[tilespmem:s19+$0xE700] =	vst v62  }
0x1c8: {  	s21 =	sadd.s32 $0x1, s21;
	[tilespmem:s23+$0xE780] =	vst v0;
	v63 =	vld.idx.msk [tilespmem:v6+s13+$0x0], $0xffff  }
0x1c9: {  	p0 =	sne.s32 s21, $0x10;
	[tilespmem:s25+$0xE780] =	vst v1  }
.Ltmp5:
0x1ca: {  	[tilespmem:s26+$0xE780] =	vst v3;
	(pc) =	sbr.rel @p0 .LBB2_2-.Ltmp5, $4  }
0x1cb: {  	[tilespmem:s29+$0xE780] =	vst v2  }
0x1cc: {  	[tilespmem:s9+$0xE780] =	vst v4  }
0x1cd: {  	s30 =	sadd.s32 s18, s22;
	s31 =	simm.s32 $0xC400;
	[tilespmem:s19+$0xE780] =	vst v63  }
0x1ce: {  	[hbm4b:s30+s5] =	stream.linear.scatter [tilespmem:s31], [sflag:$0x4], $0x4000, $0x38;
	[tilespmem:$0x10400] =	vst v63  }
0x1cf: {  	s0 =	simm.s32 $0x3  }
0x1d0: {  	_ =	swait.ge [sflag:s0], $0x4000  }
0x1d1: {  	[sflag:s0] =	ssyncset.done $0x0  }
0x1d2: {  	[sflag:s0] =	ssyncadd.s32 $0xFFFFC000  }
0x1d3: {  	_ =	swait.ge [sflag:s17], $0x4000  }
0x1d4: {  	s1 =	rddreg [dreg:$0x7]  }
0x1d5: {  	s31 =	rddreg [dreg:$0x6];
	s1 =	sadd.s32 $0x1, s1  }
0x1d6: {  	p0 =	sne.s32 s1, s31  }
.Ltmp6:
0x1d7: {  	_ = 	snop;
	(pc) =	sbr.rel @p0 .LBB2_1-.Ltmp6, $3  }
0x1d8: {  	_ =	sdelay $0x1  }
0x1d9: {  	[sflag:s17] =	ssyncset.done $0x0  }
0x1da: {  	[sflag:s17] =	ssyncadd.s32 $0xFFFFC000  }
0x1db: {  	_ =	sfence.sel $0x180000  }
0x1dc: {  	[bflag:$0x0] =	sbarrier.arrive $0xFFFF  }
0x1dd: {  	_ =	strace $0x90000047  }
0x1de: {  	s0 =	stileid.u32;
	[bflag:$0x2] =	sbarrier.arrive $0xFFFF  }
0x1df: {  	p0 =	sne.s32 s0, $0x0;
	s0 =	rddreg [dreg:$0x3]  }
0x1e0: {  	s0 =	sadd.s32 @!p0 $0x100000, s0  }
0x1e1: {  	[sflag:s0] =	ssyncadd.tile.s32 @!p0 $0x1;
	_ =	shalt  }
.Lfunc_end2:
_tile_overlayer_lowered:
.L_overlay_start_2:
0x1e2: {  	(tag) =	ssettag $0x2  }
0x1e3: {  	s0 =	rddreg [dreg:$0x0];
	s2 =	stileid.u32  }
0x1e4: {  	s1 =	rddreg [dreg:$0x1];
	p0 =	sne.s32 s2, $0x0  }
0x1e5: {  	s3 =	rddreg [dreg:$0x2];
	[bflag:$0x3] =	sbarrier.arrive $0xFFFF;
	s2 =	simm.s32 @!p0 $0x1C06  }
0x1e6: {  	[timem:s3], [sflag:s2] =	dma.local @!p0 [hbm:s0], s1  }
0x1e7: {  	s0 =	simm.s32 @!p0 $0x6  }
0x1e8: {  	_ =	swait.ge @!p0 [sflag:s0], s1  }
0x1e9: {  	s1 =	ssub.s32 @!p0 $0x0, s1;
	[sflag:s0] =	ssyncset.done @!p0 $0x0  }
0x1ea: {  	[sflag:s0] =	ssyncadd.s32 @!p0 s1  }
0x1eb: {  	[bflag:$0x3] =	sbarrier.arrive $0xFFFF  }
0x1ec: {  	_ =	shalt  }

</sc_bundles>
